<compile_context>
chip_gen: v7x
topology: tpu7x:2x2x1
jax: 0.10.2.dev20260603
libtpu: 0.0.44.dev20260713+nightly
codegen_flags: <defaults>
</compile_context>

<pallas_src>
import functools

import jax
import jax.numpy as jnp
from jax import lax
from jax.experimental import pallas as pl
from jax.experimental.pallas import tpu as pltpu
from jax.experimental.pallas import tpu_sc as plsc

B, CIN, HW, P = 16, 3, 224, 14
HP = HW // P
HID, CODE_DIM, K = 96, 32, 8192
N = B * HP * HP
D = CIN * P * P
TT = 256
KC = 2048

SC_CORES, SC_SUBCORES = 2, 16
NW = SC_CORES * SC_SUBCORES
GW = 128


def _enc_body(p_ref, w1_ref, b1_ref, w2_ref, b2_ref, cbt2_ref, cnorm_ref,
              iota_ref, z_ref, idx_ref):
    xb = p_ref[...]
    p = (xb.reshape(CIN, HP, P, HP, P)
         .transpose(1, 3, 0, 2, 4)
         .reshape(TT, D))
    h = jnp.maximum(
        jnp.dot(p, w1_ref[...], preferred_element_type=jnp.float32)
        + b1_ref[...], 0.0)
    z = (jnp.dot(h, w2_ref[...], preferred_element_type=jnp.float32)
         + b2_ref[...])
    z_ref[...] = z
    znorm = jnp.sum(z * z, axis=1, keepdims=True)
    best_d = jnp.full((TT, 1), jnp.inf, jnp.float32)
    best_i = jnp.full((TT, 1), 0.0, jnp.float32)
    for c in range(K // KC):
        cross2 = jnp.dot(z, cbt2_ref[:, c * KC:(c + 1) * KC],
                         preferred_element_type=jnp.float32)
        d = (znorm + cross2) + cnorm_ref[:, c * KC:(c + 1) * KC]
        m = jnp.min(d, axis=1, keepdims=True)
        i = jnp.min(jnp.where(d == m, iota_ref[:, c * KC:(c + 1) * KC],
                              jnp.inf), axis=1, keepdims=True)
        take = m < best_d
        best_d = jnp.where(take, m, best_d)
        best_i = jnp.where(take, i, best_i)
    idx_ref[...] = best_i.astype(jnp.int32)


def _dec_body(z_ref, q_ref, idx_ref, wd1_ref, bd1_ref, wd2_ref, bd2_ref,
              quant_ref, out_ref):
    z = z_ref[...]
    rows = q_ref[...]
    off = lax.bitwise_and(idx_ref[...], 3)
    q_raw = jnp.where(
        off == 0, rows[:, 0:CODE_DIM],
        jnp.where(off == 1, rows[:, CODE_DIM:2 * CODE_DIM],
                  jnp.where(off == 2, rows[:, 2 * CODE_DIM:3 * CODE_DIM],
                            rows[:, 3 * CODE_DIM:4 * CODE_DIM])))
    q = z + (q_raw - z)
    quant_ref[...] = q
    h = jnp.maximum(
        jnp.dot(q, wd1_ref[...], preferred_element_type=jnp.float32)
        + bd1_ref[...], 0.0)
    d2 = (jnp.dot(h, wd2_ref[...], preferred_element_type=jnp.float32)
          + bd2_ref[...])
    out_ref[...] = (d2.reshape(HP, HP, CIN, P, P)
                    .transpose(2, 0, 3, 1, 4)
                    .reshape(1, CIN, HW, HW))


@functools.cache
def _enc_call(n_tok):
    nt = n_tok // TT
    return pl.pallas_call(
        _enc_body,
        grid=(nt,),
        in_specs=[
            pl.BlockSpec((1, CIN, HW, HW), lambda i: (i, 0, 0, 0)),
            pl.BlockSpec((D, HID), lambda i: (0, 0)),
            pl.BlockSpec((1, HID), lambda i: (0, 0)),
            pl.BlockSpec((HID, CODE_DIM), lambda i: (0, 0)),
            pl.BlockSpec((1, CODE_DIM), lambda i: (0, 0)),
            pl.BlockSpec((CODE_DIM, K), lambda i: (0, 0)),
            pl.BlockSpec((1, K), lambda i: (0, 0)),
            pl.BlockSpec((1, K), lambda i: (0, 0)),
        ],
        out_specs=[
            pl.BlockSpec((TT, CODE_DIM), lambda i: (i, 0)),
            pl.BlockSpec((TT, 1), lambda i: (i, 0)),
        ],
        out_shape=[
            jax.ShapeDtypeStruct((n_tok, CODE_DIM), jnp.float32),
            jax.ShapeDtypeStruct((n_tok, 1), jnp.int32),
        ],
        compiler_params=pltpu.CompilerParams(
            dimension_semantics=("parallel",)),
    )


@functools.cache
def _dec_call(n_tok):
    nt = n_tok // TT
    return pl.pallas_call(
        _dec_body,
        grid=(nt,),
        in_specs=[
            pl.BlockSpec((TT, CODE_DIM), lambda i: (i, 0)),
            pl.BlockSpec((TT, GW), lambda i: (i, 0)),
            pl.BlockSpec((TT, 1), lambda i: (i, 0)),
            pl.BlockSpec((CODE_DIM, HID), lambda i: (0, 0)),
            pl.BlockSpec((1, HID), lambda i: (0, 0)),
            pl.BlockSpec((HID, D), lambda i: (0, 0)),
            pl.BlockSpec((1, D), lambda i: (0, 0)),
        ],
        out_specs=[
            pl.BlockSpec((TT, CODE_DIM), lambda i: (i, 0)),
            pl.BlockSpec((1, CIN, HW, HW), lambda i: (i, 0, 0, 0)),
        ],
        out_shape=[
            jax.ShapeDtypeStruct((n_tok, CODE_DIM), jnp.float32),
            jax.ShapeDtypeStruct((n_tok // TT, CIN, HW, HW), jnp.float32),
        ],
        compiler_params=pltpu.CompilerParams(
            dimension_semantics=("parallel",)),
    )


KP = K // 4
KPS = KP // SC_SUBCORES


def _make_sc_gather_body(n_tok):
    bpw = n_tok // NW

    def body(packed_hbm, idx_hbm, out_hbm, tbl_sh, stage_v, idx_v, row_v,
             rows_v, sem):
        sid = lax.axis_index("s")
        wid = sid * SC_CORES + lax.axis_index("c")
        base = wid * bpw
        pltpu.sync_copy(packed_hbm.at[pl.ds(sid * KPS, KPS)], stage_v)
        pltpu.sync_copy(stage_v, tbl_sh.at[pl.ds(sid * KPS, KPS)])
        pltpu.sync_copy(idx_hbm.at[pl.ds(base, bpw)], idx_v)
        for k in range(bpw // 16):
            g = idx_v[pl.ds(k * 16, 16)]
            row_v[pl.ds(k * 16, 16)] = lax.shift_right_logical(g, 2)
        plsc.subcore_barrier()
        pltpu.async_copy(tbl_sh.at[row_v], rows_v, sem).wait()
        pltpu.sync_copy(rows_v, out_hbm.at[pl.ds(base, bpw)])

    return body


@functools.cache
def _sc_gather_call(n_tok):
    bpw = n_tok // NW
    return pl.kernel(
        _make_sc_gather_body(n_tok),
        mesh=plsc.VectorSubcoreMesh(core_axis_name="c", subcore_axis_name="s"),
        out_type=jax.ShapeDtypeStruct((n_tok, GW), jnp.float32),
        scratch_types=[
            pltpu.VMEM_SHARED((KP, GW), jnp.float32),
            pltpu.VMEM((KPS, GW), jnp.float32),
            pltpu.VMEM((bpw,), jnp.int32),
            pltpu.VMEM((bpw,), jnp.int32),
            pltpu.VMEM((bpw, GW), jnp.float32),
            pltpu.SemaphoreType.DMA,
        ],
    )


def kernel(x, W_enc1, b_enc1, W_enc2, b_enc2, codeblocks,
           W_dec1, b_dec1, W_dec2, b_dec2):
    Bx = x.shape[0]
    cbt2 = -2.0 * codeblocks.T
    cnorm = jnp.sum(codeblocks ** 2, axis=1).reshape(1, K)
    iota_f = jnp.arange(K, dtype=jnp.float32).reshape(1, K)
    packed_cb = codeblocks.reshape(K // 4, 4 * CODE_DIM)
    b1 = b_enc1.reshape(1, HID)
    b2 = b_enc2.reshape(1, CODE_DIM)
    bd1 = b_dec1.reshape(1, HID)
    bd2 = b_dec2.reshape(1, D)

    z, idx = _enc_call(N)(x, W_enc1, b1, W_enc2, b2, cbt2, cnorm, iota_f)
    q_rows = _sc_gather_call(N)(packed_cb, idx.reshape(N))
    quant, dec = _dec_call(N)(z, q_rows, idx, W_dec1, bd1, W_dec2, bd2)
    return (dec, z, quant)

# --- scband reference (transcript-rebuilt; emitter-appended) ---
"""Pipeline reference for scband-vq-vae-86681029968488 (READ-ONLY COPY).

The authoritative reference and input builder live on the scoring server;
editing this copy changes nothing except your own understanding.
"""

import jax, jax.numpy as jnp
import numpy as np

B, CIN, HW, P = 16, 3, 224, 14
HP = HW // P  # 16 latent grid
HID, CODE_DIM, K = 96, 32, 8192


def setup_inputs(seed: int = 0) -> dict:
    key = jax.random.key(seed)
    ks = jax.random.split(key, 10)
    x = jax.random.normal(ks[0], (B, CIN, HW, HW), dtype=jnp.float32)
    W_enc1 = jax.random.normal(ks[1], (CIN * P * P, HID), dtype=jnp.float32) * 0.02
    b_enc1 = jnp.zeros((HID,), dtype=jnp.float32)
    W_enc2 = jax.random.normal(ks[2], (HID, CODE_DIM), dtype=jnp.float32) * 0.02
    b_enc2 = jnp.zeros((CODE_DIM,), dtype=jnp.float32)
    codeblocks = jax.random.normal(ks[3], (K, CODE_DIM), dtype=jnp.float32)
    W_dec1 = jax.random.normal(ks[4], (CODE_DIM, HID), dtype=jnp.float32) * 0.02
    b_dec1 = jnp.zeros((HID,), dtype=jnp.float32)
    W_dec2 = jax.random.normal(ks[5], (HID, CIN * P * P), dtype=jnp.float32) * 0.02
    b_dec2 = jnp.zeros((CIN * P * P,), dtype=jnp.float32)
    return {"x": x, "W_enc1": W_enc1, "b_enc1": b_enc1, "W_enc2": W_enc2, "b_enc2": b_enc2,
            "codeblocks": codeblocks, "W_dec1": W_dec1, "b_dec1": b_dec1, "W_dec2": W_dec2, "b_dec2": b_dec2}


def reference(x, W_enc1, b_enc1, W_enc2, b_enc2, codeblocks, W_dec1, b_dec1, W_dec2, b_dec2):
    Bx = x.shape[0]
    # encoder: patchify conv (kernel=stride=patch) + relu + 1x1 conv -> latent [B, HP, HP, CODE_DIM]
    patches = x.reshape(Bx, CIN, HP, P, HP, P).transpose(0, 2, 4, 1, 3, 5).reshape(Bx, HP, HP, CIN * P * P)
    h = jax.nn.relu(patches @ W_enc1 + b_enc1)
    z = h @ W_enc2 + b_enc2
    # flatten tokens: equivalent of permute(0,2,3,1).view(B*H*W, C)
    reshape_out = z.reshape(Bx * HP * HP, CODE_DIM)
    # squared L2 distance to every codebook vector (expanded form to avoid giant broadcast)
    diff = (jnp.sum(reshape_out ** 2, axis=1, keepdims=True)
            - 2.0 * reshape_out @ codeblocks.T
            + jnp.sum(codeblocks ** 2, axis=1)[None, :])
    nearest = jnp.argmin(diff, axis=1)
    quantized_raw = jnp.take(codeblocks, nearest, axis=0)
    # straight-through estimator
    quantized = reshape_out + jax.lax.stop_gradient(quantized_raw - reshape_out)
    # decoder: 1x1 conv + relu + patch-expansion (pixel-shuffle) back to [B, 3, 224, 224]
    d1 = jax.nn.relu(quantized @ W_dec1 + b_dec1)
    d2 = d1 @ W_dec2 + b_dec2
    decoder_out = d2.reshape(Bx, HP, HP, CIN, P, P).transpose(0, 3, 1, 4, 2, 5).reshape(Bx, CIN, HW, HW)
    return (decoder_out, reshape_out, quantized)

if __name__ == "__main__":
    import jax
    _d = setup_inputs()
    print(jax.jit(kernel)(*tuple(_d.values())))

</pallas_src>

<mosaic_0001>
#map = affine_map<(d0, d1) -> (0, 0)>
#map1 = affine_map<(d0, d1) -> (0)>
module attributes {stable_mosaic.version = 14 : i64} {
  func.func @body(%arg0: i32, %arg1: i32, %arg2: memref<2048x128xf32, #tpu.memory_space<hbm>>, %arg3: memref<4096xi32, #tpu.memory_space<hbm>>, %arg4: memref<4096x128xf32, #tpu.memory_space<hbm>>, %arg5: memref<2048x128xf32, #tpu.memory_space<vmem_shared>>, %arg6: memref<128x128xf32, #tpu.memory_space<vmem>>, %arg7: memref<128xi32, #tpu.memory_space<vmem>>, %arg8: memref<128xi32, #tpu.memory_space<vmem>>, %arg9: memref<128x128xf32, #tpu.memory_space<vmem>>, %arg10: memref<!tpu.dma_semaphore, #tpu.memory_space<semaphore_mem>>) attributes {dimension_semantics = [#tpu.dimension_semantics<core_parallel>, #tpu.dimension_semantics<subcore_parallel>], iteration_bounds = array<i64: 2, 16>, scalar_prefetch = 0 : i64, scratch_operands = 6 : i64, tpu.core_type = #tpu.core_type<sc_vector_subcore>, window_params = [{transform_indices = #map}, {transform_indices = #map1}, {transform_indices = #map}]} {
    %mul3A = arith.constant 2 : i32
    %mul3A_0 = arith.muli %arg1, %mul3A : i32
    %add3A = arith.addi %mul3A_0, %arg0 : i32
    %mul3A_1 = arith.constant 128 : i32
    %mul3A_2 = arith.muli %add3A, %mul3A_1 : i32
    %mul3A_3 = arith.constant 128 : i32
    %mul3A_4 = arith.muli %arg1, %mul3A_3 : i32
    "tpu.region"() ({
      %run_scoped3A = tpu.sem_alloc : memref<!tpu.dma_semaphore, #tpu.memory_space<semaphore_mem>>
      %dma_start3A_88 = arith.constant 0 : i32
      %dma_start3A_89 = tpu.memref_slice %arg2[%mul3A_4, %dma_start3A_88] : memref<2048x128xf32, #tpu.memory_space<hbm>> -> memref<128x128xf32, #tpu.memory_space<hbm>>
      %dma_start3A_90 = arith.constant 0 : i32
      %dma_start3A_91 = tpu.memref_slice %arg2[%mul3A_4, %dma_start3A_90] : memref<2048x128xf32, #tpu.memory_space<hbm>> -> memref<128x128xf32, #tpu.memory_space<hbm>>
      tpu.enqueue_dma source(%dma_start3A_91 : memref<128x128xf32, #tpu.memory_space<hbm>>) target(%arg6 : memref<128x128xf32, #tpu.memory_space<vmem>>) target_semaphore(%run_scoped3A : memref<!tpu.dma_semaphore, #tpu.memory_space<semaphore_mem>>)
      %dma_wait3A_92 = arith.constant 0 : i32
      %dma_wait3A_93 = tpu.memref_slice %arg2[%mul3A_4, %dma_wait3A_92] : memref<2048x128xf32, #tpu.memory_space<hbm>> -> memref<128x128xf32, #tpu.memory_space<hbm>>
      %dma_wait3A_94 = arith.constant 0 : i32
      %dma_wait3A_95 = tpu.memref_slice %arg2[%mul3A_4, %dma_wait3A_94] : memref<2048x128xf32, #tpu.memory_space<hbm>> -> memref<128x128xf32, #tpu.memory_space<hbm>>
      tpu.wait_dma2 semaphore(%run_scoped3A : memref<!tpu.dma_semaphore, #tpu.memory_space<semaphore_mem>>) src(%dma_wait3A_95 : memref<128x128xf32, #tpu.memory_space<hbm>>) dst(%arg6 : memref<128x128xf32, #tpu.memory_space<vmem>>)
      tpu.yield
    }) : () -> ()
    %mul3A_5 = arith.constant 128 : i32
    %mul3A_6 = arith.muli %arg1, %mul3A_5 : i32
    "tpu.region"() ({
      %run_scoped3A = tpu.sem_alloc : memref<!tpu.dma_semaphore, #tpu.memory_space<semaphore_mem>>
      %dma_start3A_88 = arith.constant 0 : i32
      %dma_start3A_89 = tpu.memref_slice %arg5[%mul3A_6, %dma_start3A_88] : memref<2048x128xf32, #tpu.memory_space<vmem_shared>> -> memref<128x128xf32, #tpu.memory_space<vmem_shared>>
      %dma_start3A_90 = arith.constant 0 : i32
      %dma_start3A_91 = tpu.memref_slice %arg5[%mul3A_6, %dma_start3A_90] : memref<2048x128xf32, #tpu.memory_space<vmem_shared>> -> memref<128x128xf32, #tpu.memory_space<vmem_shared>>
      tpu.enqueue_dma source(%arg6 : memref<128x128xf32, #tpu.memory_space<vmem>>) target(%dma_start3A_91 : memref<128x128xf32, #tpu.memory_space<vmem_shared>>) target_semaphore(%run_scoped3A : memref<!tpu.dma_semaphore, #tpu.memory_space<semaphore_mem>>)
      %dma_wait3A_92 = arith.constant 0 : i32
      %dma_wait3A_93 = tpu.memref_slice %arg5[%mul3A_6, %dma_wait3A_92] : memref<2048x128xf32, #tpu.memory_space<vmem_shared>> -> memref<128x128xf32, #tpu.memory_space<vmem_shared>>
      %dma_wait3A_94 = arith.constant 0 : i32
      %dma_wait3A_95 = tpu.memref_slice %arg5[%mul3A_6, %dma_wait3A_94] : memref<2048x128xf32, #tpu.memory_space<vmem_shared>> -> memref<128x128xf32, #tpu.memory_space<vmem_shared>>
      tpu.wait_dma2 semaphore(%run_scoped3A : memref<!tpu.dma_semaphore, #tpu.memory_space<semaphore_mem>>) src(%arg6 : memref<128x128xf32, #tpu.memory_space<vmem>>) dst(%dma_wait3A_95 : memref<128x128xf32, #tpu.memory_space<vmem_shared>>)
      tpu.yield
    }) : () -> ()
    "tpu.region"() ({
      %run_scoped3A = tpu.sem_alloc : memref<!tpu.dma_semaphore, #tpu.memory_space<semaphore_mem>>
      %dma_start3A_88 = tpu.memref_slice %arg3[%mul3A_2] : memref<4096xi32, #tpu.memory_space<hbm>> -> memref<128xi32, #tpu.memory_space<hbm>>
      %dma_start3A_89 = tpu.memref_slice %arg3[%mul3A_2] : memref<4096xi32, #tpu.memory_space<hbm>> -> memref<128xi32, #tpu.memory_space<hbm>>
      tpu.enqueue_dma source(%dma_start3A_89 : memref<128xi32, #tpu.memory_space<hbm>>) target(%arg7 : memref<128xi32, #tpu.memory_space<vmem>>) target_semaphore(%run_scoped3A : memref<!tpu.dma_semaphore, #tpu.memory_space<semaphore_mem>>)
      %dma_wait3A_90 = tpu.memref_slice %arg3[%mul3A_2] : memref<4096xi32, #tpu.memory_space<hbm>> -> memref<128xi32, #tpu.memory_space<hbm>>
      %dma_wait3A_91 = tpu.memref_slice %arg3[%mul3A_2] : memref<4096xi32, #tpu.memory_space<hbm>> -> memref<128xi32, #tpu.memory_space<hbm>>
      tpu.wait_dma2 semaphore(%run_scoped3A : memref<!tpu.dma_semaphore, #tpu.memory_space<semaphore_mem>>) src(%dma_wait3A_91 : memref<128xi32, #tpu.memory_space<hbm>>) dst(%arg7 : memref<128xi32, #tpu.memory_space<vmem>>)
      tpu.yield
    }) : () -> ()
    %get3A = arith.constant 0 : index
    %get3A_7 = tpu.vector_load %arg7[%get3A] {strides = array<i32>} : memref<128xi32, #tpu.memory_space<vmem>>, vector<16xi32>,
    %get3A_8 = vector.shape_cast %get3A_7 : vector<16xi32> to vector<16xi32>
    %shift_right_logical3A = arith.constant 2 : i32
    %shift_right_logical3A_9 = vector.broadcast %shift_right_logical3A : i32 to vector<16xi32>
    %shift_right_logical3A_10 = arith.shrui %get3A_8, %shift_right_logical3A_9 : vector<16xi32>
    %swap3A = arith.constant 0 : index
    %swap3A_11 = tpu.vector_load %arg8[%swap3A] {strides = array<i32>} : memref<128xi32, #tpu.memory_space<vmem>>, vector<16xi32>,
    %swap3A_12 = vector.shape_cast %swap3A_11 : vector<16xi32> to vector<16xi32>
    %swap3A_13 = vector.shape_cast %shift_right_logical3A_10 : vector<16xi32> to vector<16xi32>
    tpu.vector_store %arg8[%swap3A], %swap3A_13 {strides = array<i32>} : memref<128xi32, #tpu.memory_space<vmem>>, vector<16xi32>,
    %get3A_14 = arith.constant 16 : index
    %get3A_15 = tpu.vector_load %arg7[%get3A_14] {strides = array<i32>} : memref<128xi32, #tpu.memory_space<vmem>>, vector<16xi32>,
    %get3A_16 = vector.shape_cast %get3A_15 : vector<16xi32> to vector<16xi32>
    %shift_right_logical3A_17 = arith.constant 2 : i32
    %shift_right_logical3A_18 = vector.broadcast %shift_right_logical3A_17 : i32 to vector<16xi32>
    %shift_right_logical3A_19 = arith.shrui %get3A_16, %shift_right_logical3A_18 : vector<16xi32>
    %swap3A_20 = arith.constant 16 : index
    %swap3A_21 = tpu.vector_load %arg8[%swap3A_20] {strides = array<i32>} : memref<128xi32, #tpu.memory_space<vmem>>, vector<16xi32>,
    %swap3A_22 = vector.shape_cast %swap3A_21 : vector<16xi32> to vector<16xi32>
    %swap3A_23 = vector.shape_cast %shift_right_logical3A_19 : vector<16xi32> to vector<16xi32>
    tpu.vector_store %arg8[%swap3A_20], %swap3A_23 {strides = array<i32>} : memref<128xi32, #tpu.memory_space<vmem>>, vector<16xi32>,
    %get3A_24 = arith.constant 32 : index
    %get3A_25 = tpu.vector_load %arg7[%get3A_24] {strides = array<i32>} : memref<128xi32, #tpu.memory_space<vmem>>, vector<16xi32>,
    %get3A_26 = vector.shape_cast %get3A_25 : vector<16xi32> to vector<16xi32>
    %shift_right_logical3A_27 = arith.constant 2 : i32
    %shift_right_logical3A_28 = vector.broadcast %shift_right_logical3A_27 : i32 to vector<16xi32>
    %shift_right_logical3A_29 = arith.shrui %get3A_26, %shift_right_logical3A_28 : vector<16xi32>
    %swap3A_30 = arith.constant 32 : index
    %swap3A_31 = tpu.vector_load %arg8[%swap3A_30] {strides = array<i32>} : memref<128xi32, #tpu.memory_space<vmem>>, vector<16xi32>,
    %swap3A_32 = vector.shape_cast %swap3A_31 : vector<16xi32> to vector<16xi32>
    %swap3A_33 = vector.shape_cast %shift_right_logical3A_29 : vector<16xi32> to vector<16xi32>
    tpu.vector_store %arg8[%swap3A_30], %swap3A_33 {strides = array<i32>} : memref<128xi32, #tpu.memory_space<vmem>>, vector<16xi32>,
    %get3A_34 = arith.constant 48 : index
    %get3A_35 = tpu.vector_load %arg7[%get3A_34] {strides = array<i32>} : memref<128xi32, #tpu.memory_space<vmem>>, vector<16xi32>,
    %get3A_36 = vector.shape_cast %get3A_35 : vector<16xi32> to vector<16xi32>
    %shift_right_logical3A_37 = arith.constant 2 : i32
    %shift_right_logical3A_38 = vector.broadcast %shift_right_logical3A_37 : i32 to vector<16xi32>
    %shift_right_logical3A_39 = arith.shrui %get3A_36, %shift_right_logical3A_38 : vector<16xi32>
    %swap3A_40 = arith.constant 48 : index
    %swap3A_41 = tpu.vector_load %arg8[%swap3A_40] {strides = array<i32>} : memref<128xi32, #tpu.memory_space<vmem>>, vector<16xi32>,
    %swap3A_42 = vector.shape_cast %swap3A_41 : vector<16xi32> to vector<16xi32>
    %swap3A_43 = vector.shape_cast %shift_right_logical3A_39 : vector<16xi32> to vector<16xi32>
    tpu.vector_store %arg8[%swap3A_40], %swap3A_43 {strides = array<i32>} : memref<128xi32, #tpu.memory_space<vmem>>, vector<16xi32>,
    %get3A_44 = arith.constant 64 : index
    %get3A_45 = tpu.vector_load %arg7[%get3A_44] {strides = array<i32>} : memref<128xi32, #tpu.memory_space<vmem>>, vector<16xi32>,
    %get3A_46 = vector.shape_cast %get3A_45 : vector<16xi32> to vector<16xi32>
    %shift_right_logical3A_47 = arith.constant 2 : i32
    %shift_right_logical3A_48 = vector.broadcast %shift_right_logical3A_47 : i32 to vector<16xi32>
    %shift_right_logical3A_49 = arith.shrui %get3A_46, %shift_right_logical3A_48 : vector<16xi32>
    %swap3A_50 = arith.constant 64 : index
    %swap3A_51 = tpu.vector_load %arg8[%swap3A_50] {strides = array<i32>} : memref<128xi32, #tpu.memory_space<vmem>>, vector<16xi32>,
    %swap3A_52 = vector.shape_cast %swap3A_51 : vector<16xi32> to vector<16xi32>
    %swap3A_53 = vector.shape_cast %shift_right_logical3A_49 : vector<16xi32> to vector<16xi32>
    tpu.vector_store %arg8[%swap3A_50], %swap3A_53 {strides = array<i32>} : memref<128xi32, #tpu.memory_space<vmem>>, vector<16xi32>,
    %get3A_54 = arith.constant 80 : index
    %get3A_55 = tpu.vector_load %arg7[%get3A_54] {strides = array<i32>} : memref<128xi32, #tpu.memory_space<vmem>>, vector<16xi32>,
    %get3A_56 = vector.shape_cast %get3A_55 : vector<16xi32> to vector<16xi32>
    %shift_right_logical3A_57 = arith.constant 2 : i32
    %shift_right_logical3A_58 = vector.broadcast %shift_right_logical3A_57 : i32 to vector<16xi32>
    %shift_right_logical3A_59 = arith.shrui %get3A_56, %shift_right_logical3A_58 : vector<16xi32>
    %swap3A_60 = arith.constant 80 : index
    %swap3A_61 = tpu.vector_load %arg8[%swap3A_60] {strides = array<i32>} : memref<128xi32, #tpu.memory_space<vmem>>, vector<16xi32>,
    %swap3A_62 = vector.shape_cast %swap3A_61 : vector<16xi32> to vector<16xi32>
    %swap3A_63 = vector.shape_cast %shift_right_logical3A_59 : vector<16xi32> to vector<16xi32>
    tpu.vector_store %arg8[%swap3A_60], %swap3A_63 {strides = array<i32>} : memref<128xi32, #tpu.memory_space<vmem>>, vector<16xi32>,
    %get3A_64 = arith.constant 96 : index
    %get3A_65 = tpu.vector_load %arg7[%get3A_64] {strides = array<i32>} : memref<128xi32, #tpu.memory_space<vmem>>, vector<16xi32>,
    %get3A_66 = vector.shape_cast %get3A_65 : vector<16xi32> to vector<16xi32>
    %shift_right_logical3A_67 = arith.constant 2 : i32
    %shift_right_logical3A_68 = vector.broadcast %shift_right_logical3A_67 : i32 to vector<16xi32>
    %shift_right_logical3A_69 = arith.shrui %get3A_66, %shift_right_logical3A_68 : vector<16xi32>
    %swap3A_70 = arith.constant 96 : index
    %swap3A_71 = tpu.vector_load %arg8[%swap3A_70] {strides = array<i32>} : memref<128xi32, #tpu.memory_space<vmem>>, vector<16xi32>,
    %swap3A_72 = vector.shape_cast %swap3A_71 : vector<16xi32> to vector<16xi32>
    %swap3A_73 = vector.shape_cast %shift_right_logical3A_69 : vector<16xi32> to vector<16xi32>
    tpu.vector_store %arg8[%swap3A_70], %swap3A_73 {strides = array<i32>} : memref<128xi32, #tpu.memory_space<vmem>>, vector<16xi32>,
    %get3A_74 = arith.constant 112 : index
    %get3A_75 = tpu.vector_load %arg7[%get3A_74] {strides = array<i32>} : memref<128xi32, #tpu.memory_space<vmem>>, vector<16xi32>,
    %get3A_76 = vector.shape_cast %get3A_75 : vector<16xi32> to vector<16xi32>
    %shift_right_logical3A_77 = arith.constant 2 : i32
    %shift_right_logical3A_78 = vector.broadcast %shift_right_logical3A_77 : i32 to vector<16xi32>
    %shift_right_logical3A_79 = arith.shrui %get3A_76, %shift_right_logical3A_78 : vector<16xi32>
    %swap3A_80 = arith.constant 112 : index
    %swap3A_81 = tpu.vector_load %arg8[%swap3A_80] {strides = array<i32>} : memref<128xi32, #tpu.memory_space<vmem>>, vector<16xi32>,
    %swap3A_82 = vector.shape_cast %swap3A_81 : vector<16xi32> to vector<16xi32>
    %swap3A_83 = vector.shape_cast %shift_right_logical3A_79 : vector<16xi32> to vector<16xi32>
    tpu.vector_store %arg8[%swap3A_80], %swap3A_83 {strides = array<i32>} : memref<128xi32, #tpu.memory_space<vmem>>, vector<16xi32>,
    %barrier3A = arith.constant 0 : index
    tpu.barrier barrier_id(%barrier3A)
    %dma_start3A = arith.constant 0 : i32
    %dma_start3A_84 = arith.constant 0 : i32
    %dma_start3A_85 = tpu.memref_slice %arg5[%dma_start3A, %dma_start3A_84] : memref<2048x128xf32, #tpu.memory_space<vmem_shared>> -> memref<2048x128xf32, #tpu.memory_space<vmem_shared>>
    tpu.enqueue_indirect_dma source(%dma_start3A_85 : memref<2048x128xf32, #tpu.memory_space<vmem_shared>>) target(%arg9 : memref<128x128xf32, #tpu.memory_space<vmem>>) offsets(%arg8 : memref<128xi32, #tpu.memory_space<vmem>>) semaphore(%arg10 : memref<!tpu.dma_semaphore, #tpu.memory_space<semaphore_mem>>)
    %dma_wait3A = arith.constant 0 : i32
    %dma_wait3A_86 = arith.constant 0 : i32
    %dma_wait3A_87 = tpu.memref_slice %arg5[%dma_wait3A, %dma_wait3A_86] : memref<2048x128xf32, #tpu.memory_space<vmem_shared>> -> memref<2048x128xf32, #tpu.memory_space<vmem_shared>>
    tpu.wait_indirect_dma semaphore(%arg10 : memref<!tpu.dma_semaphore, #tpu.memory_space<semaphore_mem>>) src(%dma_wait3A_87 : memref<2048x128xf32, #tpu.memory_space<vmem_shared>>) dst(%arg9 : memref<128x128xf32, #tpu.memory_space<vmem>>)
    "tpu.region"() ({
      %run_scoped3A = tpu.sem_alloc : memref<!tpu.dma_semaphore, #tpu.memory_space<semaphore_mem>>
      %dma_start3A_88 = arith.constant 0 : i32
      %dma_start3A_89 = tpu.memref_slice %arg4[%mul3A_2, %dma_start3A_88] : memref<4096x128xf32, #tpu.memory_space<hbm>> -> memref<128x128xf32, #tpu.memory_space<hbm>>
      %dma_start3A_90 = arith.constant 0 : i32
      %dma_start3A_91 = tpu.memref_slice %arg4[%mul3A_2, %dma_start3A_90] : memref<4096x128xf32, #tpu.memory_space<hbm>> -> memref<128x128xf32, #tpu.memory_space<hbm>>
      tpu.enqueue_dma source(%arg9 : memref<128x128xf32, #tpu.memory_space<vmem>>) target(%dma_start3A_91 : memref<128x128xf32, #tpu.memory_space<hbm>>) target_semaphore(%run_scoped3A : memref<!tpu.dma_semaphore, #tpu.memory_space<semaphore_mem>>)
      %dma_wait3A_92 = arith.constant 0 : i32
      %dma_wait3A_93 = tpu.memref_slice %arg4[%mul3A_2, %dma_wait3A_92] : memref<4096x128xf32, #tpu.memory_space<hbm>> -> memref<128x128xf32, #tpu.memory_space<hbm>>
      %dma_wait3A_94 = arith.constant 0 : i32
      %dma_wait3A_95 = tpu.memref_slice %arg4[%mul3A_2, %dma_wait3A_94] : memref<4096x128xf32, #tpu.memory_space<hbm>> -> memref<128x128xf32, #tpu.memory_space<hbm>>
      tpu.wait_dma2 semaphore(%run_scoped3A : memref<!tpu.dma_semaphore, #tpu.memory_space<semaphore_mem>>) src(%arg9 : memref<128x128xf32, #tpu.memory_space<vmem>>) dst(%dma_wait3A_95 : memref<128x128xf32, #tpu.memory_space<hbm>>)
      tpu.yield
    }) : () -> ()
    return
  }
}

module attributes {stable_mosaic.version = 14 : i64} {
  func.func @_enc_body(%arg0: i32, %arg1: memref<1x3x224x224xf32, #tpu.memory_space<vmem>>, %arg2: memref<588x96xf32, #tpu.memory_space<vmem>>, %arg3: memref<1x96xf32, #tpu.memory_space<vmem>>, %arg4: memref<96x32xf32, #tpu.memory_space<vmem>>, %arg5: memref<1x32xf32, #tpu.memory_space<vmem>>, %arg6: memref<32x8192xf32, #tpu.memory_space<vmem>>, %arg7: memref<1x8192xf32, #tpu.memory_space<vmem>>, %arg8: memref<1x8192xf32, #tpu.memory_space<vmem>>, %arg9: memref<256x32xf32, #tpu.memory_space<vmem>>, %arg10: memref<256x1xi32, #tpu.memory_space<vmem>>) attributes {dimension_semantics = [#tpu.dimension_semantics<parallel>], iteration_bounds = array<i64: 16>, scalar_prefetch = 0 : i64, scratch_operands = 0 : i64, tpu.core_type = #tpu.core_type<tc>, window_params = [{transform_indices = @transform_0, window_bounds = array<i64: 1, 3, 224, 224>}, {pipeline_mode = #tpu.pipeline_mode<synchronous>, transform_indices = @transform_1, window_bounds = array<i64: 588, 96>}, {pipeline_mode = #tpu.pipeline_mode<synchronous>, transform_indices = @transform_2, window_bounds = array<i64: 1, 96>}, {pipeline_mode = #tpu.pipeline_mode<synchronous>, transform_indices = @transform_3, window_bounds = array<i64: 96, 32>}, {pipeline_mode = #tpu.pipeline_mode<synchronous>, transform_indices = @transform_4, window_bounds = array<i64: 1, 32>}, {pipeline_mode = #tpu.pipeline_mode<synchronous>, transform_indices = @transform_5, window_bounds = array<i64: 32, 8192>}, {pipeline_mode = #tpu.pipeline_mode<synchronous>, transform_indices = @transform_6, window_bounds = array<i64: 1, 8192>}, {pipeline_mode = #tpu.pipeline_mode<synchronous>, transform_indices = @transform_7, window_bounds = array<i64: 1, 8192>}, {transform_indices = @transform_8, window_bounds = array<i64: 256, 32>}, {transform_indices = @transform_9, window_bounds = array<i64: 256, 1>}]} {
    %get3A = arith.constant 0 : index
    %get3A_0 = arith.constant 0 : index
    %get3A_1 = arith.constant 0 : index
    %get3A_2 = arith.constant 0 : index
    %get3A_3 = vector.load %arg1[%get3A, %get3A_0, %get3A_1, %get3A_2] : memref<1x3x224x224xf32, #tpu.memory_space<vmem>>, vector<1x3x224x224xf32>
    %reshape3A = vector.shape_cast %get3A_3 : vector<1x3x224x224xf32> to vector<3x16x14x16x14xf32>
    %transpose3A = tpu.transpose %reshape3A, [1, 3, 0, 2, 4] : vector<3x16x14x16x14xf32> -> vector<16x16x3x14x14xf32>
    %reshape3A_4 = vector.shape_cast %transpose3A : vector<16x16x3x14x14xf32> to vector<256x588xf32>
    %get3A_5 = arith.constant 0 : index
    %get3A_6 = arith.constant 0 : index
    %get3A_7 = vector.load %arg2[%get3A_5, %get3A_6] : memref<588x96xf32, #tpu.memory_space<vmem>>, vector<588x96xf32>
    %dot_general3A = arith.constant dense<0.000000e+00> : vector<256x96xf32>
    %dot_general3A_8 = tpu.matmul %reshape3A_4, %get3A_7, %dot_general3A {dimension_numbers = #tpu.dot_dimension_numbers<[1], [0], [0], [1], [0, 0, 1, 1], [], []>, transpose_lhs_hint = false} : vector<256x588xf32>, vector<588x96xf32>, vector<256x96xf32> -> vector<256x96xf32>
    %get3A_9 = arith.constant 0 : index
    %get3A_10 = arith.constant 0 : index
    %get3A_11 = vector.load %arg3[%get3A_9, %get3A_10] : memref<1x96xf32, #tpu.memory_space<vmem>>, vector<1x96xf32>
    %add3A = vector.broadcast %get3A_11 : vector<1x96xf32> to vector<256x96xf32>
    %add3A_12 = arith.addf %dot_general3A_8, %add3A : vector<256x96xf32>
    %max3A = arith.constant 0.000000e+00 : f32
    %max3A_13 = vector.broadcast %max3A : f32 to vector<256x96xf32>
    %max3A_14 = arith.maximumf %add3A_12, %max3A_13 : vector<256x96xf32>
    %get3A_15 = arith.constant 0 : index
    %get3A_16 = arith.constant 0 : index
    %get3A_17 = vector.load %arg4[%get3A_15, %get3A_16] : memref<96x32xf32, #tpu.memory_space<vmem>>, vector<96x32xf32>
    %dot_general3A_18 = arith.constant dense<0.000000e+00> : vector<256x32xf32>
    %dot_general3A_19 = tpu.matmul %max3A_14, %get3A_17, %dot_general3A_18 {dimension_numbers = #tpu.dot_dimension_numbers<[1], [0], [0], [1], [0, 0, 1, 1], [], []>, transpose_lhs_hint = false} : vector<256x96xf32>, vector<96x32xf32>, vector<256x32xf32> -> vector<256x32xf32>
    %get3A_20 = arith.constant 0 : index
    %get3A_21 = arith.constant 0 : index
    %get3A_22 = vector.load %arg5[%get3A_20, %get3A_21] : memref<1x32xf32, #tpu.memory_space<vmem>>, vector<1x32xf32>
    %add3A_23 = vector.broadcast %get3A_22 : vector<1x32xf32> to vector<256x32xf32>
    %add3A_24 = arith.addf %dot_general3A_19, %add3A_23 : vector<256x32xf32>
    %swap3A = arith.constant 0 : index
    %swap3A_25 = arith.constant 0 : index
    %swap3A_26 = vector.load %arg9[%swap3A, %swap3A_25] : memref<256x32xf32, #tpu.memory_space<vmem>>, vector<256x32xf32>
    tpu.vector_store %arg9[%swap3A, %swap3A_25], %add3A_24 {strides = array<i32>} : memref<256x32xf32, #tpu.memory_space<vmem>>, vector<256x32xf32>,
    %mul3A = arith.mulf %add3A_24, %add3A_24 : vector<256x32xf32>
    %reduce_sum3A = arith.constant dense<0.000000e+00> : vector<256xf32>
    %reduce_sum3A_27 = vector.multi_reduction <add>, %mul3A, %reduce_sum3A [1] : vector<256x32xf32> to vector<256xf32>
    %broadcast_in_dim3A = vector.shape_cast %reduce_sum3A_27 : vector<256xf32> to vector<256x1xf32>
    %broadcast_in_dim3A_28 = arith.constant 0x7F800000 : f32
    %broadcast_in_dim3A_29 = vector.broadcast %broadcast_in_dim3A_28 : f32 to vector<256x1xf32>
    %broadcast_in_dim3A_30 = arith.constant 0.000000e+00 : f32
    %broadcast_in_dim3A_31 = vector.broadcast %broadcast_in_dim3A_30 : f32 to vector<256x1xf32>
    %get3A_32 = arith.constant 0 : index
    %get3A_33 = arith.constant 0 : index
    %get3A_34 = vector.load %arg6[%get3A_32, %get3A_33] : memref<32x8192xf32, #tpu.memory_space<vmem>>, vector<32x2048xf32>
    %dot_general3A_35 = arith.constant dense<0.000000e+00> : vector<256x2048xf32>
    %dot_general3A_36 = tpu.matmul %add3A_24, %get3A_34, %dot_general3A_35 {dimension_numbers = #tpu.dot_dimension_numbers<[1], [0], [0], [1], [0, 0, 1, 1], [], []>, transpose_lhs_hint = false} : vector<256x32xf32>, vector<32x2048xf32>, vector<256x2048xf32> -> vector<256x2048xf32>
    %add3A_37 = vector.broadcast %broadcast_in_dim3A : vector<256x1xf32> to vector<256x2048xf32>
    %add3A_38 = arith.addf %add3A_37, %dot_general3A_36 : vector<256x2048xf32>
    %get3A_39 = arith.constant 0 : index
    %get3A_40 = arith.constant 0 : index
    %get3A_41 = vector.load %arg7[%get3A_39, %get3A_40] : memref<1x8192xf32, #tpu.memory_space<vmem>>, vector<1x2048xf32>
    %add3A_42 = vector.broadcast %get3A_41 : vector<1x2048xf32> to vector<256x2048xf32>
    %add3A_43 = arith.addf %add3A_38, %add3A_42 : vector<256x2048xf32>
    %reduce_min3A = arith.constant dense<0x7F800000> : vector<256xf32>
    %reduce_min3A_44 = vector.multi_reduction <minimumf>, %add3A_43, %reduce_min3A [1] : vector<256x2048xf32> to vector<256xf32>
    %broadcast_in_dim3A_45 = vector.shape_cast %reduce_min3A_44 : vector<256xf32> to vector<256x1xf32>
    %eq3A = vector.broadcast %broadcast_in_dim3A_45 : vector<256x1xf32> to vector<256x2048xf32>
    %eq3A_46 = arith.cmpf oeq, %add3A_43, %eq3A : vector<256x2048xf32>
    %get3A_47 = arith.constant 0 : index
    %get3A_48 = arith.constant 0 : index
    %get3A_49 = vector.load %arg8[%get3A_47, %get3A_48] : memref<1x8192xf32, #tpu.memory_space<vmem>>, vector<1x2048xf32>
    %jit3A = arith.constant 0x7F800000 : f32
    %broadcast_in_dim3A_50 = vector.shape_cast %get3A_49 : vector<1x2048xf32> to vector<1x2048xf32>
    %broadcast_in_dim3A_51 = vector.broadcast %broadcast_in_dim3A_50 : vector<1x2048xf32> to vector<256x2048xf32>
    %broadcast_in_dim3A_52 = vector.broadcast %jit3A : f32 to vector<256x2048xf32>
    %select_n3A = arith.select %eq3A_46, %broadcast_in_dim3A_51, %broadcast_in_dim3A_52 : vector<256x2048xi1>, vector<256x2048xf32>
    %reduce_min3A_53 = arith.constant dense<0x7F800000> : vector<256xf32>
    %reduce_min3A_54 = vector.multi_reduction <minimumf>, %select_n3A, %reduce_min3A_53 [1] : vector<256x2048xf32> to vector<256xf32>
    %broadcast_in_dim3A_55 = vector.shape_cast %reduce_min3A_54 : vector<256xf32> to vector<256x1xf32>
    %lt3A = arith.cmpf olt, %broadcast_in_dim3A_45, %broadcast_in_dim3A_29 : vector<256x1xf32>
    %select_n3A_56 = arith.select %lt3A, %broadcast_in_dim3A_45, %broadcast_in_dim3A_29 : vector<256x1xi1>, vector<256x1xf32>
    %select_n3A_57 = arith.select %lt3A, %broadcast_in_dim3A_55, %broadcast_in_dim3A_31 : vector<256x1xi1>, vector<256x1xf32>
    %get3A_58 = arith.constant 0 : index
    %get3A_59 = arith.constant 2048 : index
    %get3A_60 = vector.load %arg6[%get3A_58, %get3A_59] : memref<32x8192xf32, #tpu.memory_space<vmem>>, vector<32x2048xf32>
    %dot_general3A_61 = arith.constant dense<0.000000e+00> : vector<256x2048xf32>
    %dot_general3A_62 = tpu.matmul %add3A_24, %get3A_60, %dot_general3A_61 {dimension_numbers = #tpu.dot_dimension_numbers<[1], [0], [0], [1], [0, 0, 1, 1], [], []>, transpose_lhs_hint = false} : vector<256x32xf32>, vector<32x2048xf32>, vector<256x2048xf32> -> vector<256x2048xf32>
    %add3A_63 = vector.broadcast %broadcast_in_dim3A : vector<256x1xf32> to vector<256x2048xf32>
    %add3A_64 = arith.addf %add3A_63, %dot_general3A_62 : vector<256x2048xf32>
    %get3A_65 = arith.constant 0 : index
    %get3A_66 = arith.constant 2048 : index
    %get3A_67 = vector.load %arg7[%get3A_65, %get3A_66] : memref<1x8192xf32, #tpu.memory_space<vmem>>, vector<1x2048xf32>
    %add3A_68 = vector.broadcast %get3A_67 : vector<1x2048xf32> to vector<256x2048xf32>
    %add3A_69 = arith.addf %add3A_64, %add3A_68 : vector<256x2048xf32>
    %reduce_min3A_70 = arith.constant dense<0x7F800000> : vector<256xf32>
    %reduce_min3A_71 = vector.multi_reduction <minimumf>, %add3A_69, %reduce_min3A_70 [1] : vector<256x2048xf32> to vector<256xf32>
    %broadcast_in_dim3A_72 = vector.shape_cast %reduce_min3A_71 : vector<256xf32> to vector<256x1xf32>
    %eq3A_73 = vector.broadcast %broadcast_in_dim3A_72 : vector<256x1xf32> to vector<256x2048xf32>
    %eq3A_74 = arith.cmpf oeq, %add3A_69, %eq3A_73 : vector<256x2048xf32>
    %get3A_75 = arith.constant 0 : index
    %get3A_76 = arith.constant 2048 : index
    %get3A_77 = vector.load %arg8[%get3A_75, %get3A_76] : memref<1x8192xf32, #tpu.memory_space<vmem>>, vector<1x2048xf32>
    %jit3A_78 = arith.constant 0x7F800000 : f32
    %broadcast_in_dim3A_79 = vector.shape_cast %get3A_77 : vector<1x2048xf32> to vector<1x2048xf32>
    %broadcast_in_dim3A_80 = vector.broadcast %broadcast_in_dim3A_79 : vector<1x2048xf32> to vector<256x2048xf32>
    %broadcast_in_dim3A_81 = vector.broadcast %jit3A_78 : f32 to vector<256x2048xf32>
    %select_n3A_82 = arith.select %eq3A_74, %broadcast_in_dim3A_80, %broadcast_in_dim3A_81 : vector<256x2048xi1>, vector<256x2048xf32>
    %reduce_min3A_83 = arith.constant dense<0x7F800000> : vector<256xf32>
    %reduce_min3A_84 = vector.multi_reduction <minimumf>, %select_n3A_82, %reduce_min3A_83 [1] : vector<256x2048xf32> to vector<256xf32>
    %broadcast_in_dim3A_85 = vector.shape_cast %reduce_min3A_84 : vector<256xf32> to vector<256x1xf32>
    %lt3A_86 = arith.cmpf olt, %broadcast_in_dim3A_72, %select_n3A_56 : vector<256x1xf32>
    %select_n3A_87 = arith.select %lt3A_86, %broadcast_in_dim3A_72, %select_n3A_56 : vector<256x1xi1>, vector<256x1xf32>
    %select_n3A_88 = arith.select %lt3A_86, %broadcast_in_dim3A_85, %select_n3A_57 : vector<256x1xi1>, vector<256x1xf32>
    %get3A_89 = arith.constant 0 : index
    %get3A_90 = arith.constant 4096 : index
    %get3A_91 = vector.load %arg6[%get3A_89, %get3A_90] : memref<32x8192xf32, #tpu.memory_space<vmem>>, vector<32x2048xf32>
    %dot_general3A_92 = arith.constant dense<0.000000e+00> : vector<256x2048xf32>
    %dot_general3A_93 = tpu.matmul %add3A_24, %get3A_91, %dot_general3A_92 {dimension_numbers = #tpu.dot_dimension_numbers<[1], [0], [0], [1], [0, 0, 1, 1], [], []>, transpose_lhs_hint = false} : vector<256x32xf32>, vector<32x2048xf32>, vector<256x2048xf32> -> vector<256x2048xf32>
    %add3A_94 = vector.broadcast %broadcast_in_dim3A : vector<256x1xf32> to vector<256x2048xf32>
    %add3A_95 = arith.addf %add3A_94, %dot_general3A_93 : vector<256x2048xf32>
    %get3A_96 = arith.constant 0 : index
    %get3A_97 = arith.constant 4096 : index
    %get3A_98 = vector.load %arg7[%get3A_96, %get3A_97] : memref<1x8192xf32, #tpu.memory_space<vmem>>, vector<1x2048xf32>
    %add3A_99 = vector.broadcast %get3A_98 : vector<1x2048xf32> to vector<256x2048xf32>
    %add3A_100 = arith.addf %add3A_95, %add3A_99 : vector<256x2048xf32>
    %reduce_min3A_101 = arith.constant dense<0x7F800000> : vector<256xf32>
    %reduce_min3A_102 = vector.multi_reduction <minimumf>, %add3A_100, %reduce_min3A_101 [1] : vector<256x2048xf32> to vector<256xf32>
    %broadcast_in_dim3A_103 = vector.shape_cast %reduce_min3A_102 : vector<256xf32> to vector<256x1xf32>
    %eq3A_104 = vector.broadcast %broadcast_in_dim3A_103 : vector<256x1xf32> to vector<256x2048xf32>
    %eq3A_105 = arith.cmpf oeq, %add3A_100, %eq3A_104 : vector<256x2048xf32>
    %get3A_106 = arith.constant 0 : index
    %get3A_107 = arith.constant 4096 : index
    %get3A_108 = vector.load %arg8[%get3A_106, %get3A_107] : memref<1x8192xf32, #tpu.memory_space<vmem>>, vector<1x2048xf32>
    %jit3A_109 = arith.constant 0x7F800000 : f32
    %broadcast_in_dim3A_110 = vector.shape_cast %get3A_108 : vector<1x2048xf32> to vector<1x2048xf32>
    %broadcast_in_dim3A_111 = vector.broadcast %broadcast_in_dim3A_110 : vector<1x2048xf32> to vector<256x2048xf32>
    %broadcast_in_dim3A_112 = vector.broadcast %jit3A_109 : f32 to vector<256x2048xf32>
    %select_n3A_113 = arith.select %eq3A_105, %broadcast_in_dim3A_111, %broadcast_in_dim3A_112 : vector<256x2048xi1>, vector<256x2048xf32>
    %reduce_min3A_114 = arith.constant dense<0x7F800000> : vector<256xf32>
    %reduce_min3A_115 = vector.multi_reduction <minimumf>, %select_n3A_113, %reduce_min3A_114 [1] : vector<256x2048xf32> to vector<256xf32>
    %broadcast_in_dim3A_116 = vector.shape_cast %reduce_min3A_115 : vector<256xf32> to vector<256x1xf32>
    %lt3A_117 = arith.cmpf olt, %broadcast_in_dim3A_103, %select_n3A_87 : vector<256x1xf32>
    %select_n3A_118 = arith.select %lt3A_117, %broadcast_in_dim3A_103, %select_n3A_87 : vector<256x1xi1>, vector<256x1xf32>
    %select_n3A_119 = arith.select %lt3A_117, %broadcast_in_dim3A_116, %select_n3A_88 : vector<256x1xi1>, vector<256x1xf32>
    %get3A_120 = arith.constant 0 : index
    %get3A_121 = arith.constant 6144 : index
    %get3A_122 = vector.load %arg6[%get3A_120, %get3A_121] : memref<32x8192xf32, #tpu.memory_space<vmem>>, vector<32x2048xf32>
    %dot_general3A_123 = arith.constant dense<0.000000e+00> : vector<256x2048xf32>
    %dot_general3A_124 = tpu.matmul %add3A_24, %get3A_122, %dot_general3A_123 {dimension_numbers = #tpu.dot_dimension_numbers<[1], [0], [0], [1], [0, 0, 1, 1], [], []>, transpose_lhs_hint = false} : vector<256x32xf32>, vector<32x2048xf32>, vector<256x2048xf32> -> vector<256x2048xf32>
    %add3A_125 = vector.broadcast %broadcast_in_dim3A : vector<256x1xf32> to vector<256x2048xf32>
    %add3A_126 = arith.addf %add3A_125, %dot_general3A_124 : vector<256x2048xf32>
    %get3A_127 = arith.constant 0 : index
    %get3A_128 = arith.constant 6144 : index
    %get3A_129 = vector.load %arg7[%get3A_127, %get3A_128] : memref<1x8192xf32, #tpu.memory_space<vmem>>, vector<1x2048xf32>
    %add3A_130 = vector.broadcast %get3A_129 : vector<1x2048xf32> to vector<256x2048xf32>
    %add3A_131 = arith.addf %add3A_126, %add3A_130 : vector<256x2048xf32>
    %reduce_min3A_132 = arith.constant dense<0x7F800000> : vector<256xf32>
    %reduce_min3A_133 = vector.multi_reduction <minimumf>, %add3A_131, %reduce_min3A_132 [1] : vector<256x2048xf32> to vector<256xf32>
    %broadcast_in_dim3A_134 = vector.shape_cast %reduce_min3A_133 : vector<256xf32> to vector<256x1xf32>
    %eq3A_135 = vector.broadcast %broadcast_in_dim3A_134 : vector<256x1xf32> to vector<256x2048xf32>
    %eq3A_136 = arith.cmpf oeq, %add3A_131, %eq3A_135 : vector<256x2048xf32>
    %get3A_137 = arith.constant 0 : index
    %get3A_138 = arith.constant 6144 : index
    %get3A_139 = vector.load %arg8[%get3A_137, %get3A_138] : memref<1x8192xf32, #tpu.memory_space<vmem>>, vector<1x2048xf32>
    %jit3A_140 = arith.constant 0x7F800000 : f32
    %broadcast_in_dim3A_141 = vector.shape_cast %get3A_139 : vector<1x2048xf32> to vector<1x2048xf32>
    %broadcast_in_dim3A_142 = vector.broadcast %broadcast_in_dim3A_141 : vector<1x2048xf32> to vector<256x2048xf32>
    %broadcast_in_dim3A_143 = vector.broadcast %jit3A_140 : f32 to vector<256x2048xf32>
    %select_n3A_144 = arith.select %eq3A_136, %broadcast_in_dim3A_142, %broadcast_in_dim3A_143 : vector<256x2048xi1>, vector<256x2048xf32>
    %reduce_min3A_145 = arith.constant dense<0x7F800000> : vector<256xf32>
    %reduce_min3A_146 = vector.multi_reduction <minimumf>, %select_n3A_144, %reduce_min3A_145 [1] : vector<256x2048xf32> to vector<256xf32>
    %broadcast_in_dim3A_147 = vector.shape_cast %reduce_min3A_146 : vector<256xf32> to vector<256x1xf32>
    %lt3A_148 = arith.cmpf olt, %broadcast_in_dim3A_134, %select_n3A_118 : vector<256x1xf32>
    %select_n3A_149 = arith.select %lt3A_148, %broadcast_in_dim3A_147, %select_n3A_119 : vector<256x1xi1>, vector<256x1xf32>
    %convert_element_type3A = arith.fptosi %select_n3A_149 : vector<256x1xf32> to vector<256x1xi32>
    %swap3A_150 = arith.constant 0 : index
    %swap3A_151 = arith.constant 0 : index
    %swap3A_152 = vector.load %arg10[%swap3A_150, %swap3A_151] : memref<256x1xi32, #tpu.memory_space<vmem>>, vector<256x1xi32>
    tpu.vector_store %arg10[%swap3A_150, %swap3A_151], %convert_element_type3A {strides = array<i32>} : memref<256x1xi32, #tpu.memory_space<vmem>>, vector<256x1xi32>,
    return
  }
  func.func @transform_0(%arg0: i32) -> (i32, i32, i32, i32) {
    %c0_i32 = arith.constant 0 : i32
    %c0_i32_0 = arith.constant 0 : i32
    %c0_i32_1 = arith.constant 0 : i32
    %c0_i32_2 = arith.constant 0 : i32
    return %arg0, %c0_i32, %c0_i32_0, %c0_i32_1 : i32, i32, i32, i32
  }
  func.func @transform_1(%arg0: i32) -> (i32, i32) {
    %c0_i32 = arith.constant 0 : i32
    %c0_i32_0 = arith.constant 0 : i32
    %c0_i32_1 = arith.constant 0 : i32
    return %c0_i32, %c0_i32_0 : i32, i32
  }
  func.func @transform_2(%arg0: i32) -> (i32, i32) {
    %c0_i32 = arith.constant 0 : i32
    %c0_i32_0 = arith.constant 0 : i32
    %c0_i32_1 = arith.constant 0 : i32
    return %c0_i32, %c0_i32_0 : i32, i32
  }
  func.func @transform_3(%arg0: i32) -> (i32, i32) {
    %c0_i32 = arith.constant 0 : i32
    %c0_i32_0 = arith.constant 0 : i32
    %c0_i32_1 = arith.constant 0 : i32
    return %c0_i32, %c0_i32_0 : i32, i32
  }
  func.func @transform_4(%arg0: i32) -> (i32, i32) {
    %c0_i32 = arith.constant 0 : i32
    %c0_i32_0 = arith.constant 0 : i32
    %c0_i32_1 = arith.constant 0 : i32
    return %c0_i32, %c0_i32_0 : i32, i32
  }
  func.func @transform_5(%arg0: i32) -> (i32, i32) {
    %c0_i32 = arith.constant 0 : i32
    %c0_i32_0 = arith.constant 0 : i32
    %c0_i32_1 = arith.constant 0 : i32
    return %c0_i32, %c0_i32_0 : i32, i32
  }
  func.func @transform_6(%arg0: i32) -> (i32, i32) {
    %c0_i32 = arith.constant 0 : i32
    %c0_i32_0 = arith.constant 0 : i32
    %c0_i32_1 = arith.constant 0 : i32
    return %c0_i32, %c0_i32_0 : i32, i32
  }
  func.func @transform_7(%arg0: i32) -> (i32, i32) {
    %c0_i32 = arith.constant 0 : i32
    %c0_i32_0 = arith.constant 0 : i32
    %c0_i32_1 = arith.constant 0 : i32
    return %c0_i32, %c0_i32_0 : i32, i32
  }
  func.func @transform_8(%arg0: i32) -> (i32, i32) {
    %c0_i32 = arith.constant 0 : i32
    %c0_i32_0 = arith.constant 0 : i32
    return %arg0, %c0_i32 : i32, i32
  }
  func.func @transform_9(%arg0: i32) -> (i32, i32) {
    %c0_i32 = arith.constant 0 : i32
    %c0_i32_0 = arith.constant 0 : i32
    return %arg0, %c0_i32 : i32, i32
  }
}

module attributes {stable_mosaic.version = 14 : i64} {
  func.func @_dec_body(%arg0: i32, %arg1: memref<256x32xf32, #tpu.memory_space<vmem>>, %arg2: memref<256x128xf32, #tpu.memory_space<vmem>>, %arg3: memref<256x1xi32, #tpu.memory_space<vmem>>, %arg4: memref<32x96xf32, #tpu.memory_space<vmem>>, %arg5: memref<1x96xf32, #tpu.memory_space<vmem>>, %arg6: memref<96x588xf32, #tpu.memory_space<vmem>>, %arg7: memref<1x588xf32, #tpu.memory_space<vmem>>, %arg8: memref<256x32xf32, #tpu.memory_space<vmem>>, %arg9: memref<1x3x224x224xf32, #tpu.memory_space<vmem>>) attributes {dimension_semantics = [#tpu.dimension_semantics<parallel>], iteration_bounds = array<i64: 16>, scalar_prefetch = 0 : i64, scratch_operands = 0 : i64, tpu.core_type = #tpu.core_type<tc>, window_params = [{transform_indices = @transform_0, window_bounds = array<i64: 256, 32>}, {transform_indices = @transform_1, window_bounds = array<i64: 256, 128>}, {transform_indices = @transform_2, window_bounds = array<i64: 256, 1>}, {pipeline_mode = #tpu.pipeline_mode<synchronous>, transform_indices = @transform_3, window_bounds = array<i64: 32, 96>}, {pipeline_mode = #tpu.pipeline_mode<synchronous>, transform_indices = @transform_4, window_bounds = array<i64: 1, 96>}, {pipeline_mode = #tpu.pipeline_mode<synchronous>, transform_indices = @transform_5, window_bounds = array<i64: 96, 588>}, {pipeline_mode = #tpu.pipeline_mode<synchronous>, transform_indices = @transform_6, window_bounds = array<i64: 1, 588>}, {transform_indices = @transform_7, window_bounds = array<i64: 256, 32>}, {transform_indices = @transform_8, window_bounds = array<i64: 1, 3, 224, 224>}]} {
    %get3A = arith.constant 0 : index
    %get3A_0 = arith.constant 0 : index
    %get3A_1 = vector.load %arg1[%get3A, %get3A_0] : memref<256x32xf32, #tpu.memory_space<vmem>>, vector<256x32xf32>
    %get3A_2 = arith.constant 0 : index
    %get3A_3 = arith.constant 0 : index
    %get3A_4 = vector.load %arg2[%get3A_2, %get3A_3] : memref<256x128xf32, #tpu.memory_space<vmem>>, vector<256x128xf32>
    %get3A_5 = arith.constant 0 : index
    %get3A_6 = arith.constant 0 : index
    %get3A_7 = vector.load %arg3[%get3A_5, %get3A_6] : memref<256x1xi32, #tpu.memory_space<vmem>>, vector<256x1xi32>
    %and3A = arith.constant 3 : i32
    %and3A_8 = vector.broadcast %and3A : i32 to vector<256x1xi32>
    %and3A_9 = arith.andi %get3A_7, %and3A_8 : vector<256x1xi32>
    %eq3A = arith.constant 0 : i32
    %eq3A_10 = vector.broadcast %eq3A : i32 to vector<256x1xi32>
    %eq3A_11 = arith.cmpi eq, %and3A_9, %eq3A_10 : vector<256x1xi32>
    %slice3A = vector.extract_strided_slice %get3A_4 {offsets = [0, 0], sizes = [256, 32], strides = [1, 1]} : vector<256x128xf32> to vector<256x32xf32>
    %eq3A_12 = arith.constant 1 : i32
    %eq3A_13 = vector.broadcast %eq3A_12 : i32 to vector<256x1xi32>
    %eq3A_14 = arith.cmpi eq, %and3A_9, %eq3A_13 : vector<256x1xi32>
    %slice3A_15 = vector.extract_strided_slice %get3A_4 {offsets = [0, 32], sizes = [256, 32], strides = [1, 1]} : vector<256x128xf32> to vector<256x32xf32>
    %eq3A_16 = arith.constant 2 : i32
    %eq3A_17 = vector.broadcast %eq3A_16 : i32 to vector<256x1xi32>
    %eq3A_18 = arith.cmpi eq, %and3A_9, %eq3A_17 : vector<256x1xi32>
    %slice3A_19 = vector.extract_strided_slice %get3A_4 {offsets = [0, 64], sizes = [256, 32], strides = [1, 1]} : vector<256x128xf32> to vector<256x32xf32>
    %slice3A_20 = vector.extract_strided_slice %get3A_4 {offsets = [0, 96], sizes = [256, 32], strides = [1, 1]} : vector<256x128xf32> to vector<256x32xf32>
    %broadcast_in_dim3A = vector.shape_cast %eq3A_18 : vector<256x1xi1> to vector<256x1xi1>
    %broadcast_in_dim3A_21 = vector.broadcast %broadcast_in_dim3A : vector<256x1xi1> to vector<256x32xi1>
    %select_n3A = arith.select %broadcast_in_dim3A_21, %slice3A_19, %slice3A_20 : vector<256x32xi1>, vector<256x32xf32>
    %broadcast_in_dim3A_22 = vector.shape_cast %eq3A_14 : vector<256x1xi1> to vector<256x1xi1>
    %broadcast_in_dim3A_23 = vector.broadcast %broadcast_in_dim3A_22 : vector<256x1xi1> to vector<256x32xi1>
    %select_n3A_24 = arith.select %broadcast_in_dim3A_23, %slice3A_15, %select_n3A : vector<256x32xi1>, vector<256x32xf32>
    %broadcast_in_dim3A_25 = vector.shape_cast %eq3A_11 : vector<256x1xi1> to vector<256x1xi1>
    %broadcast_in_dim3A_26 = vector.broadcast %broadcast_in_dim3A_25 : vector<256x1xi1> to vector<256x32xi1>
    %select_n3A_27 = arith.select %broadcast_in_dim3A_26, %slice3A, %select_n3A_24 : vector<256x32xi1>, vector<256x32xf32>
    %sub3A = arith.subf %select_n3A_27, %get3A_1 : vector<256x32xf32>
    %add3A = arith.addf %get3A_1, %sub3A : vector<256x32xf32>
    %swap3A = arith.constant 0 : index
    %swap3A_28 = arith.constant 0 : index
    %swap3A_29 = vector.load %arg8[%swap3A, %swap3A_28] : memref<256x32xf32, #tpu.memory_space<vmem>>, vector<256x32xf32>
    tpu.vector_store %arg8[%swap3A, %swap3A_28], %add3A {strides = array<i32>} : memref<256x32xf32, #tpu.memory_space<vmem>>, vector<256x32xf32>,
    %get3A_30 = arith.constant 0 : index
    %get3A_31 = arith.constant 0 : index
    %get3A_32 = vector.load %arg4[%get3A_30, %get3A_31] : memref<32x96xf32, #tpu.memory_space<vmem>>, vector<32x96xf32>
    %dot_general3A = arith.constant dense<0.000000e+00> : vector<256x96xf32>
    %dot_general3A_33 = tpu.matmul %add3A, %get3A_32, %dot_general3A {dimension_numbers = #tpu.dot_dimension_numbers<[1], [0], [0], [1], [0, 0, 1, 1], [], []>, transpose_lhs_hint = false} : vector<256x32xf32>, vector<32x96xf32>, vector<256x96xf32> -> vector<256x96xf32>
    %get3A_34 = arith.constant 0 : index
    %get3A_35 = arith.constant 0 : index
    %get3A_36 = vector.load %arg5[%get3A_34, %get3A_35] : memref<1x96xf32, #tpu.memory_space<vmem>>, vector<1x96xf32>
    %add3A_37 = vector.broadcast %get3A_36 : vector<1x96xf32> to vector<256x96xf32>
    %add3A_38 = arith.addf %dot_general3A_33, %add3A_37 : vector<256x96xf32>
    %max3A = arith.constant 0.000000e+00 : f32
    %max3A_39 = vector.broadcast %max3A : f32 to vector<256x96xf32>
    %max3A_40 = arith.maximumf %add3A_38, %max3A_39 : vector<256x96xf32>
    %get3A_41 = arith.constant 0 : index
    %get3A_42 = arith.constant 0 : index
    %get3A_43 = vector.load %arg6[%get3A_41, %get3A_42] : memref<96x588xf32, #tpu.memory_space<vmem>>, vector<96x588xf32>
    %dot_general3A_44 = arith.constant dense<0.000000e+00> : vector<256x588xf32>
    %dot_general3A_45 = tpu.matmul %max3A_40, %get3A_43, %dot_general3A_44 {dimension_numbers = #tpu.dot_dimension_numbers<[1], [0], [0], [1], [0, 0, 1, 1], [], []>, transpose_lhs_hint = false} : vector<256x96xf32>, vector<96x588xf32>, vector<256x588xf32> -> vector<256x588xf32>
    %get3A_46 = arith.constant 0 : index
    %get3A_47 = arith.constant 0 : index
    %get3A_48 = vector.load %arg7[%get3A_46, %get3A_47] : memref<1x588xf32, #tpu.memory_space<vmem>>, vector<1x588xf32>
    %add3A_49 = vector.broadcast %get3A_48 : vector<1x588xf32> to vector<256x588xf32>
    %add3A_50 = arith.addf %dot_general3A_45, %add3A_49 : vector<256x588xf32>
    %reshape3A = vector.shape_cast %add3A_50 : vector<256x588xf32> to vector<16x16x3x14x14xf32>
    %transpose3A = tpu.transpose %reshape3A, [2, 0, 3, 1, 4] : vector<16x16x3x14x14xf32> -> vector<3x16x14x16x14xf32>
    %reshape3A_51 = vector.shape_cast %transpose3A : vector<3x16x14x16x14xf32> to vector<1x3x224x224xf32>
    %swap3A_52 = arith.constant 0 : index
    %swap3A_53 = arith.constant 0 : index
    %swap3A_54 = arith.constant 0 : index
    %swap3A_55 = arith.constant 0 : index
    %swap3A_56 = vector.load %arg9[%swap3A_52, %swap3A_53, %swap3A_54, %swap3A_55] : memref<1x3x224x224xf32, #tpu.memory_space<vmem>>, vector<1x3x224x224xf32>
    tpu.vector_store %arg9[%swap3A_52, %swap3A_53, %swap3A_54, %swap3A_55], %reshape3A_51 {strides = array<i32>} : memref<1x3x224x224xf32, #tpu.memory_space<vmem>>, vector<1x3x224x224xf32>,
    return
  }
  func.func @transform_0(%arg0: i32) -> (i32, i32) {
    %c0_i32 = arith.constant 0 : i32
    %c0_i32_0 = arith.constant 0 : i32
    return %arg0, %c0_i32 : i32, i32
  }
  func.func @transform_1(%arg0: i32) -> (i32, i32) {
    %c0_i32 = arith.constant 0 : i32
    %c0_i32_0 = arith.constant 0 : i32
    return %arg0, %c0_i32 : i32, i32
  }
  func.func @transform_2(%arg0: i32) -> (i32, i32) {
    %c0_i32 = arith.constant 0 : i32
    %c0_i32_0 = arith.constant 0 : i32
    return %arg0, %c0_i32 : i32, i32
  }
  func.func @transform_3(%arg0: i32) -> (i32, i32) {
    %c0_i32 = arith.constant 0 : i32
    %c0_i32_0 = arith.constant 0 : i32
    %c0_i32_1 = arith.constant 0 : i32
    return %c0_i32, %c0_i32_0 : i32, i32
  }
  func.func @transform_4(%arg0: i32) -> (i32, i32) {
    %c0_i32 = arith.constant 0 : i32
    %c0_i32_0 = arith.constant 0 : i32
    %c0_i32_1 = arith.constant 0 : i32
    return %c0_i32, %c0_i32_0 : i32, i32
  }
  func.func @transform_5(%arg0: i32) -> (i32, i32) {
    %c0_i32 = arith.constant 0 : i32
    %c0_i32_0 = arith.constant 0 : i32
    %c0_i32_1 = arith.constant 0 : i32
    return %c0_i32, %c0_i32_0 : i32, i32
  }
  func.func @transform_6(%arg0: i32) -> (i32, i32) {
    %c0_i32 = arith.constant 0 : i32
    %c0_i32_0 = arith.constant 0 : i32
    %c0_i32_1 = arith.constant 0 : i32
    return %c0_i32, %c0_i32_0 : i32, i32
  }
  func.func @transform_7(%arg0: i32) -> (i32, i32) {
    %c0_i32 = arith.constant 0 : i32
    %c0_i32_0 = arith.constant 0 : i32
    return %arg0, %c0_i32 : i32, i32
  }
  func.func @transform_8(%arg0: i32) -> (i32, i32, i32, i32) {
    %c0_i32 = arith.constant 0 : i32
    %c0_i32_0 = arith.constant 0 : i32
    %c0_i32_1 = arith.constant 0 : i32
    %c0_i32_2 = arith.constant 0 : i32
    return %arg0, %c0_i32, %c0_i32_0, %c0_i32_1 : i32, i32, i32, i32
  }
}

</mosaic_0001>

<sc_bundles>
// kernel: kernel.5.cloned.1.call-start
scs
__scs_entry_jumppad:
0x0: {  	(pc) =	sbr.rel $0x88, $3  }
0x1: {  	(tag) =	ssettag $0x0;
	lr =	simm.s32 $0x1  }
0x2: {  	[smem:$0x3F97] =	sst lr;
	_ =	strace $0xD0000000  }
0x3: {  	_ = 	snop  }
0x4: {  	_ = 	snop  }
0x5: {  	_ = 	snop  }
0x6: {  	_ = 	snop  }
0x7: {  	_ = 	snop  }
__scs_overlays_trampoline_lowered:
0x8: {  	[smem:$0x3FA6] =	sst s0  }
0x9: {  	[smem:$0x3FA7] =	sst s1  }
0xa: {  	[smem:$0x3FA8] =	sst s2  }
0xb: {  	[smem:$0x3FA9] =	sst s3  }
0xc: {  	[smem:$0x3FAA] =	sst s4  }
0xd: {  	[smem:$0x3FAB] =	sst s5  }
0xe: {  	[smem:$0x3FAC] =	sst s6  }
0xf: {  	[smem:$0x3FAD] =	sst s7  }
0x10: {  	[smem:$0x3FAE] =	sst s8  }
0x11: {  	[smem:$0x3FAF] =	sst s9;
	s0 =	simm.s32 @!p0 $0x0  }
0x12: {  	s1 =	sld [smem:$0x3F95];
	s0 =	simm.s32 @p0 $0x1  }
0x13: {  	[smem:$0x3FB0] =	sst s0;
	s0 =	simm.s32 @!p1 $0x0  }
0x14: {  	s2 =	sld [smem:$0x3F94];
	s0 =	simm.s32 @p1 $0x1  }
0x15: {  	[smem:$0x3FB1] =	sst s0;
	s0 =	simm.s32 @!p2 $0x0  }
0x16: {  	s3 =	sld [smem:$0x3FDB];
	s0 =	simm.s32 @p2 $0x1  }
0x17: {  	s4 =	simm.s32 $0x1BF5;
	[smem:$0x3FB3] =	sst s0  }
0x18: {  	s0 =	sld [smem:$0x3F96];
	_ =	swait.ge [sflag:s4], $0x0  }
0x19: {  	s7 =	sld [smem:$0x3F97]  }
0x1a: {  	s8 =	sadd.s32 $0xFFFFE003, lr  }
0x1b: {  	s9 =	sadd.s32 $0xFFFFFEF7, lr;
	s5 =	simm.s32 $0xFFFFFFFF;
	p2 =	slt.u32 s8, $0xFFFFF086  }
0x1c: {  	p1 =	slt.u32 s9, $0xF7A;
	s5 =	simm.s32 @!p2 $0x0  }
0x1d: {  	s5 =	simm.s32 @p1 $0x1;
	p0 =	seq.s32 s7, s2  }
0x1e: {  	s7 =	smul.u32 @!p0 $0xF7A, s2;
	p2 =	seq.s32 @!p0 s5, $0x0  }
0x1f: {  	s9 =	smul.u32 $0xF7A, s1;
	s8 =	simm.s32 @!p0 $0x1BF5;
	p2 =	por !p2, p0  }
0x20: {  	[sflag:s8] =	ssyncset.s32 @!p0 $0xFFFFF086;
	s6 =	sadd.s32 @!p0 s3, s7;
	s7 =	simm.s32 @!p0 $0x108  }
0x21: {  	s3 =	sadd.s32 s3, s9;
	s6 =	sadd.s32 @!p0 $0x88, s6;
	s7 =	simm.s32 @p2 $0x1082  }
0x22: {  	[simem:s7], [sflag:s8] =	dma.local @!p0 [hbm:s6], $0xF7A  }
0x23: {  	s9 =	sor.u32 $0xD0000000, s2;
	s6 =	simm.s32 $0x108;
	_ =	swait.ge @!p0 [sflag:s8], $0x0  }
0x24: {  	s3 =	sadd.s32 $0x88, s3;
	s6 =	simm.s32 @!p1 $0x1082;
	[sflag:s4] =	ssyncset.s32 $0xFFFFF086  }
0x25: {  	[simem:s6], [sflag:s4] =	dma.local [hbm:s3], $0xF7A  }
0x26: {  	[smem:$0x3F97] =	sst s1;
	(tag) =	ssettag s2;
	_ =	strace s9  }
0x27: {  	s1 =	sld [smem:$0x3FA7]  }
0x28: {  	s2 =	sld [smem:$0x3FA8]  }
0x29: {  	s4 =	sld [smem:$0x3FAA]  }
0x2a: {  	p0 =	seq.s32 s5, $0x0;
	s5 =	sld [smem:$0x3FAB]  }
0x2b: {  	s6 =	sld [smem:$0x3FAC]  }
0x2c: {  	s7 =	sld [smem:$0x3FAD]  }
0x2d: {  	s3 =	simm.s32 $0x108;
	s8 =	sld [smem:$0x3FAE]  }
0x2e: {  	s3 =	simm.s32 @!p0 $0x1082;
	s9 =	sld [smem:$0x3FAF]  }
0x2f: {  	lr =	sadd.s32 s0, s3;
	s0 =	sld [smem:$0x3FA6]  }
0x30: {  	s3 =	sld [smem:$0x3FA9]  }
0x31: {  	[smem:$0x3FB2] =	sst s10  }
0x32: {  	s10 =	sld [smem:$0x3FB0];
	_ =	sdelay $0x3  }
0x33: {  	p0 =	seq.s32 s10, $0x1;
	s10 =	sld [smem:$0x3FB2];
	_ =	sdelay $0x3  }
0x34: {  	[smem:$0x3FB2] =	sst s10  }
0x35: {  	s10 =	sld [smem:$0x3FB1];
	_ =	sdelay $0x3  }
0x36: {  	p1 =	seq.s32 s10, $0x1;
	s10 =	sld [smem:$0x3FB2];
	_ =	sdelay $0x3  }
0x37: {  	[smem:$0x3FB2] =	sst s10  }
0x38: {  	s10 =	sld [smem:$0x3FB3]  }
0x39: {  	_ = 	snop;
	(pc) =	sbr.ind lr, $3  }
0x3a: {  	_ = 	snop  }
0x3b: {  	_ = 	snop  }
0x3c: {  	p2 =	seq.s32 s10, $0x1;
	s10 =	sld [smem:$0x3FB2]  }
0x3d: {  	_ =	shalt  }
0x3e: {  	_ =	shalt  }
0x3f: {  	_ =	shalt  }
0x40: {  	_ =	shalt  }
0x41: {  	_ =	shalt  }
0x42: {  	_ =	shalt  }
0x43: {  	_ =	shalt  }
0x44: {  	_ =	shalt  }
0x45: {  	_ =	shalt  }
0x46: {  	_ =	shalt  }
0x47: {  	_ =	shalt  }
0x48: {  	_ =	shalt  }
0x49: {  	_ =	shalt  }
0x4a: {  	_ =	shalt  }
0x4b: {  	_ =	shalt  }
0x4c: {  	_ =	shalt  }
0x4d: {  	_ =	shalt  }
0x4e: {  	_ =	shalt  }
0x4f: {  	_ =	shalt  }
0x50: {  	_ =	shalt  }
0x51: {  	_ =	shalt  }
0x52: {  	_ =	shalt  }
0x53: {  	_ =	shalt  }
0x54: {  	_ =	shalt  }
0x55: {  	_ =	shalt  }
0x56: {  	_ =	shalt  }
0x57: {  	_ =	shalt  }
0x58: {  	_ =	shalt  }
0x59: {  	_ =	shalt  }
0x5a: {  	_ =	shalt  }
0x5b: {  	_ =	shalt  }
0x5c: {  	_ =	shalt  }
0x5d: {  	_ =	shalt  }
0x5e: {  	_ =	shalt  }
0x5f: {  	_ =	shalt  }
0x60: {  	_ =	shalt  }
0x61: {  	_ =	shalt  }
0x62: {  	_ =	shalt  }
0x63: {  	_ =	shalt  }
0x64: {  	_ =	shalt  }
0x65: {  	_ =	shalt  }
0x66: {  	_ =	shalt  }
0x67: {  	_ =	shalt  }
0x68: {  	_ =	shalt  }
0x69: {  	_ =	shalt  }
0x6a: {  	_ =	shalt  }
0x6b: {  	_ =	shalt  }
0x6c: {  	_ =	shalt  }
0x6d: {  	_ =	shalt  }
0x6e: {  	_ =	shalt  }
0x6f: {  	_ =	shalt  }
0x70: {  	_ =	shalt  }
0x71: {  	_ =	shalt  }
0x72: {  	_ =	shalt  }
0x73: {  	_ =	shalt  }
0x74: {  	_ =	shalt  }
0x75: {  	_ =	shalt  }
0x76: {  	_ =	shalt  }
0x77: {  	_ =	shalt  }
0x78: {  	_ =	shalt  }
0x79: {  	_ =	shalt  }
0x7a: {  	_ =	shalt  }
0x7b: {  	_ =	shalt  }
0x7c: {  	_ =	shalt  }
0x7d: {  	_ =	shalt  }
0x7e: {  	_ =	shalt  }
0x7f: {  	_ =	shalt  }
0x80: {  	_ =	shalt  }
0x81: {  	_ =	shalt  }
0x82: {  	_ =	shalt  }
0x83: {  	_ =	shalt  }
0x84: {  	_ =	shalt  }
0x85: {  	_ =	shalt  }
0x86: {  	_ =	shalt  }
0x87: {  	_ =	shalt  }
.Lfunc_end0:
.L_simem_size_0:
called_computation_lowered:
.L_overlay_start_0:
0x88: {  	s2 =	sld [smem:$0x3FD9]  }
0x89: {  	s3 =	sld [smem:$0x3FFE];
	_ =	sdelay $0x1  }
0x8a: {  	s1 =	srdreg.scid  }
0x8b: {  	s0 =	sand.u32 $0x1, s1  }
0x8c: {  	s14 =	sshll.u32 s0, $0xA;
	s2 =	sadd.s32 s3, s2  }
0x8d: {  	s2 =	sadd.s32 s2, s14  }
0x8e: {  	[smem:$0x3FBE] =	sst s2  }
0x8f: {  	_ = 	snop  }
0x90: {  	s2 =	sld [smem:$0x3FD0];
	_ =	sdelay $0x2  }
0x91: {  	s15 =	simm.s32 $0xA;
	s4 =	simm.s32 $0x10  }
0x92: {  	[smem:s4], [sflag:s15] =	dma.local [hbm:s2], $0x1  }
0x93: {  	_ =	swait.eq [sflag:s15], $0x1  }
0x94: {  	[sflag:s15] =	ssyncset.done $0x0  }
0x95: {  	s16 =	sld [smem:$0x10];
	[sflag:s15] =	ssyncadd.s32 $0xFFFFFFFF  }
0x96: {  	s17 =	sld [smem:$0x12];
	(tm) =	ssettm $0x1  }
0x97: {  	s18 =	sld [smem:$0x3FFB];
	_ =	sdelay $0x3  }
0x98: {  	_ =	strace s18  }
0x99: {  	s4 =	sld [smem:$0x3FFC];
	_ =	sdelay $0x3  }
0x9a: {  	_ =	strace s4  }
0x9b: {  	s4 =	sld [smem:$0x3FFD];
	_ =	sdelay $0x3  }
0x9c: {  	_ =	strace s4  }
0x9d: {  	_ =	strace $0x8FFFFFFF  }
0x9e: {  	s19 =	sld [smem:$0x3FDB];
	_ =	sdelay $0x1  }
0x9f: {  	s5 =	simm.s32 $_scs_section_size  }
0xa0: {  	s6 =	simm.s32 $_size__tile_overlayer_lowered;
	s7 =	simm.s32 $_tile_overlayer_lowered  }
0xa1: {  	s22 =	simm.s32 $0x1BFF;
	s21 =	sshll.u32 s7, $0x1;
	s4 =	sadd.s32 s5, s19  }
0xa2: {  	s8 =	simm.s32 $0x0;
	s20 =	sshll.u32 s6, $0x1;
	s6 =	sadd.s32 s21, s4  }
0xa3: {  	[timem:s8], [sflag:s22] =	dma.local [hbm:s6], s20  }
0xa4: {  	_ =	swait.ge [sflag:s22], s20  }
0xa5: {  	s5 =	ssub.s32 $0x0, s20;
	[sflag:s22] =	ssyncset.done $0x0  }
0xa6: {  	[sflag:s22] =	ssyncadd.s32 s5;
	_ =	sdelay $0x1  }
0xa7: {  	s23 =	simm.s32 $0x1B8B  }
0xa8: {  	_ =	swait.ge [sflag:s23], $0x1  }
0xa9: {  	[sflag:s23] =	ssyncset.done $0x0  }
0xaa: {  	s25 =	simm.s32 $0x1B8E;
	s24 =	sld [smem:$0x3FFE];
	[sflag:s23] =	ssyncadd.s32 $0xFFFFFFFF  }
0xab: {  	s26 =	simm.s32 $execute0_lowered;
	[smem:$0x3FD2] =	sst s25  }
0xac: {  	s6 =	sshll.u32 s26, $0x1;
	_ =	strace $0x80000046;
	[dreg:$0x1] =	wrdreg $0xFFFFFFFF  }
0xad: {  	s28 =	simm.s32 $_size_execute0_lowered;
	s4 =	sadd.s32 s4, s6;
	[dreg:$0x0] =	wrdreg $0x0  }
0xae: {  	s6 =	sshll.u32 s28, $0x1;
	[dreg:$0x2] =	wrdreg s4  }
0xaf: {  	[dreg:$0x3] =	wrdreg s6  }
0xb0: {  	[dreg:$0x4] =	wrdreg $0xC0  }
0xb1: {  	_ =	task [dreg:s8], $0x5FFFF  }
0xb2: {  	[dreg:$0x1] =	wrdreg $0xFFFFFFFF  }
0xb3: {  	[dreg:$0x0] =	wrdreg $0x60  }
0xb4: {  	[dreg:$0x2] =	wrdreg s24  }
0xb5: {  	[dreg:$0x3] =	wrdreg s17  }
0xb6: {  	[dreg:$0x4] =	wrdreg s16  }
0xb7: {  	[dreg:$0x5] =	wrdreg $0x0  }
0xb8: {  	[dreg:$0x6] =	wrdreg $0x9  }
0xb9: {  	_ =	task.clear_ibuf [dreg:s8], $0x7FFFF;
	_ =	strace $0x90000046  }
0xba: {  	s29 =	simm.s32 $0x9;
	_ =	strace $0x80000048  }
0xbb: {  	_ =	swait.ge [sflag:s29], $0x1  }
0xbc: {  	[sflag:s29] =	ssyncadd.s32 $0xFFFFFFFF  }
0xbd: {  	_ =	strace $0x90000048  }
0xbe: {  	_ =	sfence  }
0xbf: {  	s30 =	sld [smem:$0x0];
	_ =	sdelay $0x2  }
0xc0: {  	s31 =	sshll.u32 s1, $0xD;
	s1 =	sshrl.u32 s1, $0x2  }
0xc1: {  	s3 =	sand.u32 $0x4000, s31;
	s1 =	sadd.s32 s1, s30  }
0xc2: {  	s0 =	sor.u32 s3, s0;
	s1 =	sshll.u32 s1, $0x11  }
0xc3: {  	s0 =	sor.u32 s1, s0  }
0xc4: {  	s0 =	sadd.s32 $0x8F2B, s0  }
0xc5: {  	[sflag:s0] =	ssyncadd.remote.s32 $0x1  }
0xc6: {  	_ =	sfence.sel $0xFFFF  }
0xc7: {  	[dreg:$0x0] =	wrdreg $0xFFFFFFFF;
	(pc) =	sbr.abs _section_cstart, $3  }
0xc8: {  	[dreg:$0x1] =	wrdreg $0xFFFFFFFF  }
0xc9: {  	_ =	task.clear_ibuf [dreg:s8], $0x2FFFF;
	_ =	strace $0x9FFFFFFF  }
0xca: {  	(tm) =	ssettm $0x7FFFFFFF  }
0xcb: {  	_ =	shalt  }
tec
execute0_lowered:
.L_overlay_start_1:
0x0: {  	(tag) =	ssettag $0x1  }
0x1: {  	s4 =	rddreg [dreg:$0x0]  }
0x2: {  	s8 =	rddreg [dreg:$0x1]  }
0x3: {  	s10 =	rddreg [dreg:$0x2]  }
0x4: {  	s3 =	rddreg [dreg:$0x3]  }
0x5: {  	s0 =	rddreg [dreg:$0x4];
	s1 =	stileid.u32  }
0x6: {  	s2 =	simm.s32 $0x0;
	s7 =	srdreg.scid;
	s5 =	sshll.u32 s1, $0xB  }
0x7: {  	s6 =	simm.s32 $0x4000;
	[smem:$0x7FF] =	sst s2;
	s4 =	sadd.s32 s5, s4  }
0x8: {  	_ =	strace $0x80000047;
	s5 =	sadd.s32 $0x1600, s4;
	s4 =	simm.s32 $0x2  }
0x9: {  	[tilespmem:s6], [sflag:$0x2] =	stream.linear.gather [hbm4b:s5+s2], $0x4000, $0x38;
	[tilespmem:$0xC100] =	vst v63  }
0xa: {  	s11 =	sand.u32 $0x1, s7;
	_ =	swait.ge [sflag:s4], $0x4000  }
0xb: {  	s9 =	sshll.u32 s1, $0x8;
	s31 =	sshll.u32 s1, $0xE;
	[sflag:s4] =	ssyncset.done $0x0  }
0xc: {  	s12 =	sshll.u32 s11, $0x7;
	s7 =	sadd.s32 s31, s3;
	[sflag:s4] =	ssyncadd.s32 $0xFFFFC000  }
0xd: {  	[spmem:s7] =	stream.linear.scatter [tilespmem:s6], [sflag:$0x2], $0x4000, $0x38;
	[tilespmem:$0xC100] =	vst v63  }
0xe: {  	s12 =	sor.u32 s12, s9;
	_ =	swait.ge [sflag:s4], $0x4000  }
0xf: {  	s9 =	sshrl.u32 s12, $0x3;
	[sflag:s4] =	ssyncset.done $0x0  }
0x10: {  	s8 =	sadd.s32 s8, s9;
	s9 =	simm.s32 $0x8000;
	[sflag:s4] =	ssyncadd.s32 $0xFFFFC000  }
0x11: {  	[tilespmem:s9], [sflag:$0x2] =	stream.linear.gather [hbm4b:s8+s2], $0x80, $0x38;
	[tilespmem:$0xC100] =	vst v63  }
0x12: {  	_ =	swait.ge [sflag:s4], $0x80  }
0x13: {  	[sflag:s4] =	ssyncset.done $0x0  }
0x14: {  	[sflag:s4] =	ssyncadd.s32 $0xFFFFFF80  }
0x15: {  	v0 =	vld [tilespmem:$0x8070]  }
0x16: {  	v1 =	vld [tilespmem:$0x8060]  }
0x17: {  	v2 =	vld [tilespmem:$0x8050]  }
0x18: {  	v3 =	vld [tilespmem:$0x8040]  }
0x19: {  	v4 =	vld [tilespmem:$0x8030]  }
0x1a: {  	v5 =	vld [tilespmem:$0x8020];
	v0 =	vshrl.u32 v0, $0x2  }
0x1b: {  	s11 =	ssub.s32 $0x2, s11;
	v6 =	vld [tilespmem:$0x8010];
	v1 =	vshrl.u32 v1, $0x2;
	[tilespmem:$0x80F0] =	vst v0  }
0x1c: {  	s13 =	sshrl.u32 s11, $0x1;
	v59 =	vld [tilespmem:$0x8000];
	v2 =	vshrl.u32 v2, $0x2;
	[tilespmem:$0x80E0] =	vst v1  }
0x1d: {  	s11 =	ssub.s32 s11, s13;
	v60 =	vshrl.u32 v3, $0x2;
	[tilespmem:$0x80D0] =	vst v2  }
0x1e: {  	s15 =	smax.u32 s11, $0x1;
	v61 =	vshrl.u32 v4, $0x2;
	[tilespmem:$0x80C0] =	vst v60  }
0x1f: {  	p0 =	sne.s32 s15, $0x1;
	v62 =	vshrl.u32 v5, $0x2;
	[tilespmem:$0x80B0] =	vst v61  }
.Ltmp0:
0x20: {  	v63 =	vshrl.u32 v6, $0x2;
	[tilespmem:$0x80A0] =	vst v62;
	(pc) =	sbr.rel @!p0 .LBB2_2-.Ltmp0, $4  }
0x21: {  	v0 =	vshrl.u32 v59, $0x2;
	[tilespmem:$0x8090] =	vst v63  }
0x22: {  	s14 =	simm.s32 $0x1;
	s12 =	sshll.u32 s12, $0x4;
	[tilespmem:$0x8080] =	vst v0  }
0x23: {  	s13 =	simm.s32 $0x8080;
	s10 =	sadd.s32 s10, s12;
	[bflag:$0x0] =	sbarrier.arrive $0xFFFF  }
0x24: {  	s11 =	simm.s32 $0x80;
	s12 =	simm.s32 $0x8100;
	s15 =	sadd.s32 $0xFFFFFFFF, s15  }
.LBB2_1:
0x25: {  	[tilespmem:s12], [sflag:$0x1] =	stream.indirect.gather [spmem:s3], $0x80, s13, s11, $0xb8;
	[tilespmem:$0xC100] =	vst v63  }
0x26: {  	p0 =	sne.s32 s15, $0x1;
	s15 =	sadd.s32 $0xFFFFFFFF, s15;
	_ =	swait.ge [sflag:s14], $0x4000  }
0x27: {  	[sflag:s14] =	ssyncset.done $0x0  }
0x28: {  	[sflag:s14] =	ssyncadd.s32 $0xFFFFC000  }
0x29: {  	[hbm4b:s10+s2] =	stream.linear.scatter [tilespmem:s12], [sflag:$0x2], $0x4000, $0x38;
	[tilespmem:$0xC100] =	vst v63  }
0x2a: {  	_ =	swait.ge [sflag:s4], $0x4000  }
0x2b: {  	[sflag:s4] =	ssyncset.done $0x0  }
0x2c: {  	[sflag:s4] =	ssyncadd.s32 $0xFFFFC000  }
0x2d: {  	[tilespmem:s6], [sflag:$0x2] =	stream.linear.gather [hbm4b:s5+s2], $0x4000, $0x38;
	[tilespmem:$0xC100] =	vst v63  }
0x2e: {  	_ =	swait.ge [sflag:s4], $0x4000  }
0x2f: {  	[sflag:s4] =	ssyncset.done $0x0  }
0x30: {  	[sflag:s4] =	ssyncadd.s32 $0xFFFFC000  }
0x31: {  	[spmem:s7] =	stream.linear.scatter [tilespmem:s6], [sflag:$0x2], $0x4000, $0x38;
	[tilespmem:$0xC100] =	vst v63  }
0x32: {  	_ =	swait.ge [sflag:s4], $0x4000  }
0x33: {  	[sflag:s4] =	ssyncset.done $0x0  }
0x34: {  	[sflag:s4] =	ssyncadd.s32 $0xFFFFC000  }
0x35: {  	[tilespmem:s9], [sflag:$0x2] =	stream.linear.gather [hbm4b:s8+s2], $0x80, $0x38;
	[tilespmem:$0xC100] =	vst v63  }
0x36: {  	_ =	swait.ge [sflag:s4], $0x80  }
0x37: {  	[sflag:s4] =	ssyncset.done $0x0  }
0x38: {  	[sflag:s4] =	ssyncadd.s32 $0xFFFFFF80  }
0x39: {  	v0 =	vld [tilespmem:$0x8070]  }
0x3a: {  	v1 =	vld [tilespmem:$0x8060]  }
0x3b: {  	v2 =	vld [tilespmem:$0x8050]  }
0x3c: {  	v3 =	vld [tilespmem:$0x8040]  }
0x3d: {  	v4 =	vld [tilespmem:$0x8030]  }
0x3e: {  	v5 =	vld [tilespmem:$0x8020];
	v0 =	vshrl.u32 v0, $0x2  }
0x3f: {  	v6 =	vld [tilespmem:$0x8010];
	v1 =	vshrl.u32 v1, $0x2;
	[tilespmem:$0x80F0] =	vst v0  }
0x40: {  	v0 =	vld [tilespmem:$0x8000];
	v2 =	vshrl.u32 v2, $0x2;
	[tilespmem:$0x80E0] =	vst v1  }
0x41: {  	v1 =	vshrl.u32 v3, $0x2;
	[tilespmem:$0x80D0] =	vst v2  }
0x42: {  	v2 =	vshrl.u32 v4, $0x2;
	[tilespmem:$0x80C0] =	vst v1  }
0x43: {  	v1 =	vshrl.u32 v5, $0x2;
	[tilespmem:$0x80B0] =	vst v2  }
.Ltmp1:
0x44: {  	v2 =	vshrl.u32 v6, $0x2;
	[tilespmem:$0x80A0] =	vst v1;
	(pc) =	sbr.rel @p0 .LBB2_1-.Ltmp1, $3  }
0x45: {  	v0 =	vshrl.u32 v0, $0x2;
	[tilespmem:$0x8090] =	vst v2  }
0x46: {  	[tilespmem:$0x8080] =	vst v0  }
0x47: {  	[bflag:$0x0] =	sbarrier.arrive $0xFFFF;
	_ =	sdelay $0x1  }
.LBB2_2:
0x48: {  	[tilespmem:s12], [sflag:$0x1] =	stream.indirect.gather [spmem:s3], $0x80, s13, s11, $0xb8;
	[tilespmem:$0xC100] =	vst v63  }
0x49: {  	_ =	swait.ge [sflag:s14], $0x4000  }
0x4a: {  	[sflag:s14] =	ssyncset.done $0x0  }
0x4b: {  	[sflag:s14] =	ssyncadd.s32 $0xFFFFC000  }
0x4c: {  	[hbm4b:s10+s2] =	stream.linear.scatter [tilespmem:s12], [sflag:$0x2], $0x4000, $0x38;
	[tilespmem:$0xC100] =	vst v63  }
0x4d: {  	_ =	swait.ge [sflag:s4], $0x4000  }
0x4e: {  	[sflag:s4] =	ssyncset.done $0x0  }
0x4f: {  	[sflag:s4] =	ssyncadd.s32 $0xFFFFC000  }
0x50: {  	_ =	sfence.sel $0x180000  }
0x51: {  	[bflag:$0x0] =	sbarrier.arrive $0xFFFF  }
0x52: {  	p0 =	sne.s32 s1, $0x0;
	_ =	strace $0x90000047  }
0x53: {  	s0 =	sadd.s32 @!p0 $0x100000, s0;
	[bflag:$0x2] =	sbarrier.arrive $0xFFFF  }
0x54: {  	[sflag:s0] =	ssyncadd.tile.s32 @!p0 $0x1;
	_ =	shalt  }
.Lfunc_end2:
_tile_overlayer_lowered:
.L_overlay_start_2:
0x55: {  	(tag) =	ssettag $0x2  }
0x56: {  	s0 =	rddreg [dreg:$0x0];
	s2 =	stileid.u32  }
0x57: {  	s1 =	rddreg [dreg:$0x1];
	p0 =	sne.s32 s2, $0x0  }
0x58: {  	s3 =	rddreg [dreg:$0x2];
	[bflag:$0x3] =	sbarrier.arrive $0xFFFF;
	s2 =	simm.s32 @!p0 $0x1C02  }
0x59: {  	[timem:s3], [sflag:s2] =	dma.local @!p0 [hbm:s0], s1  }
0x5a: {  	s0 =	simm.s32 @!p0 $0x2  }
0x5b: {  	_ =	swait.ge @!p0 [sflag:s0], s1  }
0x5c: {  	s1 =	ssub.s32 @!p0 $0x0, s1;
	[sflag:s0] =	ssyncset.done @!p0 $0x0  }
0x5d: {  	[sflag:s0] =	ssyncadd.s32 @!p0 s1  }
0x5e: {  	[bflag:$0x3] =	sbarrier.arrive $0xFFFF  }
0x5f: {  	_ =	shalt  }

</sc_bundles>
